<compile_context>
chip_gen: v7x
topology: tpu7x:2x2x1
jax: 0.10.2.dev20260603
libtpu: 0.0.44.dev20260713+nightly
codegen_flags: <defaults>
</compile_context>

<pallas_src>
import dataclasses
import functools

import jax
import jax.numpy as jnp
from jax import lax
from jax.experimental import pallas as pl
from jax.experimental.pallas import tpu as pltpu
from jax.experimental.pallas import tpu_sc as plsc

NC = 2
NS = 16
L = 16

BE = 128
IPLEN = 16384
ZR = 64


def _sc_compiler_params():
    cp = pltpu.CompilerParams()
    if "needs_layout_passes" in pltpu.CompilerParams.__dataclass_fields__:
        cp = dataclasses.replace(cp, needs_layout_passes=False)
    return cp


def _sc_aggregate(h_neigh, indices, ip_pad, n_nodes, n_pad):
    E = indices.shape[0]
    D = h_neigh.shape[1]
    nb_total = E // BE
    per_core = nb_total // NC
    nb_base = per_core // NS
    nb_rem = per_core % NS
    rows_per_sub = n_pad // NS
    n_zero_copies = rows_per_sub // ZR

    mesh = plsc.VectorSubcoreMesh(core_axis_name="c", subcore_axis_name="s")

    @functools.partial(
        pl.kernel,
        out_type=jax.ShapeDtypeStruct((NC, n_pad, D), jnp.float32),
        mesh=mesh,
        scratch_types=[
            pltpu.VMEM((IPLEN,), jnp.int32),
            pltpu.VMEM((BE,), jnp.int32),
            pltpu.VMEM((BE, D), jnp.float32),
            pltpu.VMEM((BE,), jnp.int32),
            pltpu.VMEM((ZR, D), jnp.float32),
            pltpu.VMEM_SHARED((n_pad, D), jnp.float32),
        ],
        compiler_params=_sc_compiler_params(),
    )
    def agg(h_hbm, idx_hbm, ip_hbm, out_hbm, ip_v, idx_v, rows_v, dst_v,
            zero_v, acc_sh):
        cid = lax.axis_index("c")
        sid = lax.axis_index("s")

        pltpu.sync_copy(ip_hbm, ip_v)

        @pl.loop(0, ZR)
        def _(r):
            for j in range(D // L):
                zero_v[r, pl.ds(j * L, L)] = jnp.zeros((L,), jnp.float32)

        base_row = sid * rows_per_sub
        for k in range(n_zero_copies):
            pltpu.sync_copy(zero_v, acc_sh.at[pl.ds(base_row + k * ZR, ZR)])
        plsc.subcore_barrier()

        nblocks = jnp.where(sid < nb_rem, nb_base + 1, nb_base)

        @pl.loop(0, nblocks)
        def _(i):
            b = cid * per_core + sid + i * NS
            e0 = b * BE
            pltpu.sync_copy(idx_hbm.at[pl.ds(e0, BE)], idx_v)
            pltpu.sync_copy(h_hbm.at[idx_v], rows_v)

            @pl.loop(0, BE // L)
            def _(g):
                e_vec = lax.iota(jnp.int32, L) + (e0 + g * L)
                base = jnp.zeros((L,), jnp.int32)
                step = IPLEN // 2
                while step >= 1:
                    mid = base + step
                    a = plsc.load_gather(ip_v, [mid - 1])
                    base = jnp.where(a <= e_vec, mid, base)
                    step //= 2
                dst = base - 1
                ok = (dst >= 0) & (dst < n_nodes)
                dst_v[pl.ds(g * L, L)] = jnp.where(ok, dst, n_nodes)

            pltpu.sync_copy(rows_v, acc_sh.at[dst_v], add=True)

        plsc.subcore_barrier()
        pltpu.sync_copy(acc_sh.at[pl.ds(base_row, rows_per_sub)],
                        out_hbm.at[cid, pl.ds(base_row, rows_per_sub)])

    return agg(h_neigh, indices, ip_pad)


def _tc_finish_body(s0_ref, s1_ref, hs_ref, lo_ref, hi_ref, wn_ref, ws_ref,
                    b_ref, out_ref):
    deg = jnp.maximum((hi_ref[...] - lo_ref[...]).astype(jnp.float32), 1.0)
    h_agg = (s0_ref[...] + s1_ref[...]) / deg
    dn = (((1,), (1,)), ((), ()))
    out_ref[...] = (
        lax.dot_general(h_agg, wn_ref[...], dn,
                        preferred_element_type=jnp.float32)
        + lax.dot_general(hs_ref[...], ws_ref[...], dn,
                          preferred_element_type=jnp.float32)
        + b_ref[...]
    )


def _tc_finish(s0, s1, h_self, ip_lo, ip_hi, W_neigh, W_self, b2):
    N, D = h_self.shape
    OUT = W_neigh.shape[0]
    BN = 2000
    grid = (N // BN,)
    row_spec = pl.BlockSpec((BN, D), lambda i: (i, 0))
    col1_spec = pl.BlockSpec((BN, 1), lambda i: (i, 0))
    full = lambda shape: pl.BlockSpec(shape, lambda i: (0, 0))
    return pl.pallas_call(
        _tc_finish_body,
        grid=grid,
        in_specs=[row_spec, row_spec, row_spec, col1_spec, col1_spec,
                  full((OUT, D)), full((OUT, D)), full((1, OUT))],
        out_specs=pl.BlockSpec((BN, OUT), lambda i: (i, 0)),
        out_shape=jax.ShapeDtypeStruct((N, OUT), jnp.float32),
    )(s0, s1, h_self, ip_lo, ip_hi, W_neigh, W_self, b2)


def kernel(h_self, h_neigh, indptr, indices, W_neigh, W_self, b_self):
    N, D = h_self.shape
    n_pad = ((N + 1) + (NS * ZR) - 1) // (NS * ZR) * (NS * ZR)
    ip_pad = jnp.concatenate([
        indptr.astype(jnp.int32),
        jnp.full((IPLEN - (N + 1),), jnp.iinfo(jnp.int32).max, jnp.int32),
    ])
    acc = _sc_aggregate(h_neigh, indices, ip_pad, N, n_pad)
    ip_lo = indptr[:-1].reshape(N, 1)
    ip_hi = indptr[1:].reshape(N, 1)
    b2 = b_self.reshape(1, -1)
    return _tc_finish(acc[0, :N], acc[1, :N], h_self, ip_lo, ip_hi,
                      W_neigh, W_self, b2)

# --- scband reference (transcript-rebuilt; emitter-appended) ---
"""Pipeline reference for scband-my-sageconv-72103910966001 (READ-ONLY COPY).

The authoritative reference and input builder live on the scoring server;
editing this copy changes nothing except your own understanding.
"""

import jax, jax.numpy as jnp
import numpy as np

N = 10000
E = 320000
D = 128
OUT = 128

def setup_inputs(seed: int = 0) -> dict:
    key = jax.random.key(seed)
    ks = jax.random.split(key, 6)
    h_self = jax.random.normal(ks[0], (N, D), dtype=jnp.float32)
    h_neigh = jax.random.normal(ks[1], (N, D), dtype=jnp.float32)
    indptr = jnp.sort(jax.random.randint(ks[2], (N + 1,), 0, E, dtype=jnp.int32))
    indices = jax.random.randint(ks[3], (E,), 0, N, dtype=jnp.int32)
    gain = float(np.sqrt(2.0))
    bound_n = gain * float(np.sqrt(6.0 / (D + OUT)))
    W_neigh = jax.random.uniform(ks[4], (OUT, D), minval=-bound_n, maxval=bound_n, dtype=jnp.float32)
    W_self = jax.random.uniform(ks[5], (OUT, D), minval=-bound_n, maxval=bound_n, dtype=jnp.float32)
    b_self = jnp.zeros((OUT,), dtype=jnp.float32)
    return {"h_self": h_self, "h_neigh": h_neigh, "indptr": indptr, "indices": indices,
            "W_neigh": W_neigh, "W_self": W_self, "b_self": b_self}

def reference(h_self, h_neigh, indptr, indices, W_neigh, W_self, b_self):
    # spmm_csr mean-aggregation over incoming edges (CSC layout: per dst node v,
    # neighbors are indices[indptr[v]:indptr[v+1]]).
    deg = (indptr[1:] - indptr[:-1]).astype(jnp.float32)
    e = jnp.arange(E, dtype=indptr.dtype)
    dst = jnp.searchsorted(indptr, e, side='right') - 1
    valid = (dst >= 0) & (dst < N)
    dst_c = jnp.where(valid, dst, N).astype(jnp.int32)
    gathered = h_neigh[indices] * valid[:, None].astype(jnp.float32)
    summed = jax.ops.segment_sum(gathered, dst_c, num_segments=N + 1)[:N]
    h_agg = summed / jnp.maximum(deg, 1.0)[:, None]
    # fc_neigh (no bias) + fc_self (bias)
    rst = h_agg @ W_neigh.T + (h_self @ W_self.T + b_self)
    return rst

if __name__ == "__main__":
    import jax
    _d = setup_inputs()
    print(jax.jit(kernel)(*tuple(_d.values())))

</pallas_src>

<mosaic_0001>
#map = affine_map<(d0, d1) -> (0, 0)>
#map1 = affine_map<(d0, d1) -> (0)>
#map2 = affine_map<(d0, d1) -> (0, 0, 0)>
module attributes {stable_mosaic.version = 14 : i64} {
  func.func @agg(%arg0: i32, %arg1: i32, %arg2: memref<10000x128xf32, #tpu.memory_space<hbm>>, %arg3: memref<320000xi32, #tpu.memory_space<hbm>>, %arg4: memref<16384xi32, #tpu.memory_space<hbm>>, %arg5: memref<2x10240x128xf32, #tpu.memory_space<hbm>>, %arg6: memref<16384xi32, #tpu.memory_space<vmem>>, %arg7: memref<128xi32, #tpu.memory_space<vmem>>, %arg8: memref<128x128xf32, #tpu.memory_space<vmem>>, %arg9: memref<128xi32, #tpu.memory_space<vmem>>, %arg10: memref<64x128xf32, #tpu.memory_space<vmem>>, %arg11: memref<10240x128xf32, #tpu.memory_space<vmem_shared>>) attributes {dimension_semantics = [#tpu.dimension_semantics<core_parallel>, #tpu.dimension_semantics<subcore_parallel>], iteration_bounds = array<i64: 2, 16>, scalar_prefetch = 0 : i64, scratch_operands = 6 : i64, tpu.core_type = #tpu.core_type<sc_vector_subcore>, window_params = [{transform_indices = #map}, {transform_indices = #map1}, {transform_indices = #map1}, {transform_indices = #map2}]} {
    "tpu.region"() ({
      %run_scoped3A = tpu.sem_alloc : memref<!tpu.dma_semaphore, #tpu.memory_space<semaphore_mem>>
      tpu.enqueue_dma source(%arg4 : memref<16384xi32, #tpu.memory_space<hbm>>) target(%arg6 : memref<16384xi32, #tpu.memory_space<vmem>>) target_semaphore(%run_scoped3A : memref<!tpu.dma_semaphore, #tpu.memory_space<semaphore_mem>>)
      tpu.wait_dma2 semaphore(%run_scoped3A : memref<!tpu.dma_semaphore, #tpu.memory_space<semaphore_mem>>) src(%arg4 : memref<16384xi32, #tpu.memory_space<hbm>>) dst(%arg6 : memref<16384xi32, #tpu.memory_space<vmem>>)
      tpu.yield
    }) : () -> ()
    %scan3A = arith.constant 0 : i32
    %scan3A_0 = arith.constant 64 : i32
    %scan3A_1 = arith.addi %scan3A, %scan3A_0 : i32
    %scan3A_2 = arith.constant 1 : i32
    scf.for %scan3A_43 = %scan3A to %scan3A_1 step %scan3A_2  : i32 {
      %mul3A_44 = arith.constant 1 : i32
      %mul3A_45 = arith.muli %scan3A_43, %mul3A_44 : i32
      %add3A_46 = arith.constant 0 : i32
      %add3A_47 = arith.addi %add3A_46, %mul3A_45 : i32
      %broadcast_in_dim3A = arith.constant 0.000000e+00 : f32
      %broadcast_in_dim3A_48 = vector.broadcast %broadcast_in_dim3A : f32 to vector<16xf32>
      %swap3A = arith.index_cast %add3A_47 : i32 to index
      %swap3A_49 = arith.constant 0 : index
      %swap3A_50 = tpu.vector_load %arg10[%swap3A, %swap3A_49] {strides = array<i32>} : memref<64x128xf32, #tpu.memory_space<vmem>>, vector<16xf32>,
      tpu.vector_store %arg10[%swap3A, %swap3A_49], %broadcast_in_dim3A_48 {strides = array<i32>} : memref<64x128xf32, #tpu.memory_space<vmem>>, vector<16xf32>,
      %broadcast_in_dim3A_51 = arith.constant 0.000000e+00 : f32
      %broadcast_in_dim3A_52 = vector.broadcast %broadcast_in_dim3A_51 : f32 to vector<16xf32>
      %swap3A_53 = arith.index_cast %add3A_47 : i32 to index
      %swap3A_54 = arith.constant 16 : index
      %swap3A_55 = tpu.vector_load %arg10[%swap3A_53, %swap3A_54] {strides = array<i32>} : memref<64x128xf32, #tpu.memory_space<vmem>>, vector<16xf32>,
      tpu.vector_store %arg10[%swap3A_53, %swap3A_54], %broadcast_in_dim3A_52 {strides = array<i32>} : memref<64x128xf32, #tpu.memory_space<vmem>>, vector<16xf32>,
      %broadcast_in_dim3A_56 = arith.constant 0.000000e+00 : f32
      %broadcast_in_dim3A_57 = vector.broadcast %broadcast_in_dim3A_56 : f32 to vector<16xf32>
      %swap3A_58 = arith.index_cast %add3A_47 : i32 to index
      %swap3A_59 = arith.constant 32 : index
      %swap3A_60 = tpu.vector_load %arg10[%swap3A_58, %swap3A_59] {strides = array<i32>} : memref<64x128xf32, #tpu.memory_space<vmem>>, vector<16xf32>,
      tpu.vector_store %arg10[%swap3A_58, %swap3A_59], %broadcast_in_dim3A_57 {strides = array<i32>} : memref<64x128xf32, #tpu.memory_space<vmem>>, vector<16xf32>,
      %broadcast_in_dim3A_61 = arith.constant 0.000000e+00 : f32
      %broadcast_in_dim3A_62 = vector.broadcast %broadcast_in_dim3A_61 : f32 to vector<16xf32>
      %swap3A_63 = arith.index_cast %add3A_47 : i32 to index
      %swap3A_64 = arith.constant 48 : index
      %swap3A_65 = tpu.vector_load %arg10[%swap3A_63, %swap3A_64] {strides = array<i32>} : memref<64x128xf32, #tpu.memory_space<vmem>>, vector<16xf32>,
      tpu.vector_store %arg10[%swap3A_63, %swap3A_64], %broadcast_in_dim3A_62 {strides = array<i32>} : memref<64x128xf32, #tpu.memory_space<vmem>>, vector<16xf32>,
      %broadcast_in_dim3A_66 = arith.constant 0.000000e+00 : f32
      %broadcast_in_dim3A_67 = vector.broadcast %broadcast_in_dim3A_66 : f32 to vector<16xf32>
      %swap3A_68 = arith.index_cast %add3A_47 : i32 to index
      %swap3A_69 = arith.constant 64 : index
      %swap3A_70 = tpu.vector_load %arg10[%swap3A_68, %swap3A_69] {strides = array<i32>} : memref<64x128xf32, #tpu.memory_space<vmem>>, vector<16xf32>,
      tpu.vector_store %arg10[%swap3A_68, %swap3A_69], %broadcast_in_dim3A_67 {strides = array<i32>} : memref<64x128xf32, #tpu.memory_space<vmem>>, vector<16xf32>,
      %broadcast_in_dim3A_71 = arith.constant 0.000000e+00 : f32
      %broadcast_in_dim3A_72 = vector.broadcast %broadcast_in_dim3A_71 : f32 to vector<16xf32>
      %swap3A_73 = arith.index_cast %add3A_47 : i32 to index
      %swap3A_74 = arith.constant 80 : index
      %swap3A_75 = tpu.vector_load %arg10[%swap3A_73, %swap3A_74] {strides = array<i32>} : memref<64x128xf32, #tpu.memory_space<vmem>>, vector<16xf32>,
      tpu.vector_store %arg10[%swap3A_73, %swap3A_74], %broadcast_in_dim3A_72 {strides = array<i32>} : memref<64x128xf32, #tpu.memory_space<vmem>>, vector<16xf32>,
      %broadcast_in_dim3A_76 = arith.constant 0.000000e+00 : f32
      %broadcast_in_dim3A_77 = vector.broadcast %broadcast_in_dim3A_76 : f32 to vector<16xf32>
      %swap3A_78 = arith.index_cast %add3A_47 : i32 to index
      %swap3A_79 = arith.constant 96 : index
      %swap3A_80 = tpu.vector_load %arg10[%swap3A_78, %swap3A_79] {strides = array<i32>} : memref<64x128xf32, #tpu.memory_space<vmem>>, vector<16xf32>,
      tpu.vector_store %arg10[%swap3A_78, %swap3A_79], %broadcast_in_dim3A_77 {strides = array<i32>} : memref<64x128xf32, #tpu.memory_space<vmem>>, vector<16xf32>,
      %broadcast_in_dim3A_81 = arith.constant 0.000000e+00 : f32
      %broadcast_in_dim3A_82 = vector.broadcast %broadcast_in_dim3A_81 : f32 to vector<16xf32>
      %swap3A_83 = arith.index_cast %add3A_47 : i32 to index
      %swap3A_84 = arith.constant 112 : index
      %swap3A_85 = tpu.vector_load %arg10[%swap3A_83, %swap3A_84] {strides = array<i32>} : memref<64x128xf32, #tpu.memory_space<vmem>>, vector<16xf32>,
      tpu.vector_store %arg10[%swap3A_83, %swap3A_84], %broadcast_in_dim3A_82 {strides = array<i32>} : memref<64x128xf32, #tpu.memory_space<vmem>>, vector<16xf32>,
    }
    %scan3A_3 = arith.constant 64 : i32
    %mul3A = arith.constant 640 : i32
    %mul3A_4 = arith.muli %arg1, %mul3A : i32
    %add3A = arith.constant 0 : i32
    %add3A_5 = arith.addi %mul3A_4, %add3A : i32
    "tpu.region"() ({
      %run_scoped3A = tpu.sem_alloc : memref<!tpu.dma_semaphore, #tpu.memory_space<semaphore_mem>>
      %dma_start3A = arith.constant 0 : i32
      %dma_start3A_43 = tpu.memref_slice %arg11[%add3A_5, %dma_start3A] : memref<10240x128xf32, #tpu.memory_space<vmem_shared>> -> memref<64x128xf32, #tpu.memory_space<vmem_shared>>
      %dma_start3A_44 = arith.constant 0 : i32
      %dma_start3A_45 = tpu.memref_slice %arg11[%add3A_5, %dma_start3A_44] : memref<10240x128xf32, #tpu.memory_space<vmem_shared>> -> memref<64x128xf32, #tpu.memory_space<vmem_shared>>
      tpu.enqueue_dma source(%arg10 : memref<64x128xf32, #tpu.memory_space<vmem>>) target(%dma_start3A_45 : memref<64x128xf32, #tpu.memory_space<vmem_shared>>) target_semaphore(%run_scoped3A : memref<!tpu.dma_semaphore, #tpu.memory_space<semaphore_mem>>)
      %dma_wait3A = arith.constant 0 : i32
      %dma_wait3A_46 = tpu.memref_slice %arg11[%add3A_5, %dma_wait3A] : memref<10240x128xf32, #tpu.memory_space<vmem_shared>> -> memref<64x128xf32, #tpu.memory_space<vmem_shared>>
      %dma_wait3A_47 = arith.constant 0 : i32
      %dma_wait3A_48 = tpu.memref_slice %arg11[%add3A_5, %dma_wait3A_47] : memref<10240x128xf32, #tpu.memory_space<vmem_shared>> -> memref<64x128xf32, #tpu.memory_space<vmem_shared>>
      tpu.wait_dma2 semaphore(%run_scoped3A : memref<!tpu.dma_semaphore, #tpu.memory_space<semaphore_mem>>) src(%arg10 : memref<64x128xf32, #tpu.memory_space<vmem>>) dst(%dma_wait3A_48 : memref<64x128xf32, #tpu.memory_space<vmem_shared>>)
      tpu.yield
    }) : () -> ()
    %add3A_6 = arith.constant 64 : i32
    %add3A_7 = arith.addi %mul3A_4, %add3A_6 : i32
    "tpu.region"() ({
      %run_scoped3A = tpu.sem_alloc : memref<!tpu.dma_semaphore, #tpu.memory_space<semaphore_mem>>
      %dma_start3A = arith.constant 0 : i32
      %dma_start3A_43 = tpu.memref_slice %arg11[%add3A_7, %dma_start3A] : memref<10240x128xf32, #tpu.memory_space<vmem_shared>> -> memref<64x128xf32, #tpu.memory_space<vmem_shared>>
      %dma_start3A_44 = arith.constant 0 : i32
      %dma_start3A_45 = tpu.memref_slice %arg11[%add3A_7, %dma_start3A_44] : memref<10240x128xf32, #tpu.memory_space<vmem_shared>> -> memref<64x128xf32, #tpu.memory_space<vmem_shared>>
      tpu.enqueue_dma source(%arg10 : memref<64x128xf32, #tpu.memory_space<vmem>>) target(%dma_start3A_45 : memref<64x128xf32, #tpu.memory_space<vmem_shared>>) target_semaphore(%run_scoped3A : memref<!tpu.dma_semaphore, #tpu.memory_space<semaphore_mem>>)
      %dma_wait3A = arith.constant 0 : i32
      %dma_wait3A_46 = tpu.memref_slice %arg11[%add3A_7, %dma_wait3A] : memref<10240x128xf32, #tpu.memory_space<vmem_shared>> -> memref<64x128xf32, #tpu.memory_space<vmem_shared>>
      %dma_wait3A_47 = arith.constant 0 : i32
      %dma_wait3A_48 = tpu.memref_slice %arg11[%add3A_7, %dma_wait3A_47] : memref<10240x128xf32, #tpu.memory_space<vmem_shared>> -> memref<64x128xf32, #tpu.memory_space<vmem_shared>>
      tpu.wait_dma2 semaphore(%run_scoped3A : memref<!tpu.dma_semaphore, #tpu.memory_space<semaphore_mem>>) src(%arg10 : memref<64x128xf32, #tpu.memory_space<vmem>>) dst(%dma_wait3A_48 : memref<64x128xf32, #tpu.memory_space<vmem_shared>>)
      tpu.yield
    }) : () -> ()
    %add3A_8 = arith.constant 128 : i32
    %add3A_9 = arith.addi %mul3A_4, %add3A_8 : i32
    "tpu.region"() ({
      %run_scoped3A = tpu.sem_alloc : memref<!tpu.dma_semaphore, #tpu.memory_space<semaphore_mem>>
      %dma_start3A = arith.constant 0 : i32
      %dma_start3A_43 = tpu.memref_slice %arg11[%add3A_9, %dma_start3A] : memref<10240x128xf32, #tpu.memory_space<vmem_shared>> -> memref<64x128xf32, #tpu.memory_space<vmem_shared>>
      %dma_start3A_44 = arith.constant 0 : i32
      %dma_start3A_45 = tpu.memref_slice %arg11[%add3A_9, %dma_start3A_44] : memref<10240x128xf32, #tpu.memory_space<vmem_shared>> -> memref<64x128xf32, #tpu.memory_space<vmem_shared>>
      tpu.enqueue_dma source(%arg10 : memref<64x128xf32, #tpu.memory_space<vmem>>) target(%dma_start3A_45 : memref<64x128xf32, #tpu.memory_space<vmem_shared>>) target_semaphore(%run_scoped3A : memref<!tpu.dma_semaphore, #tpu.memory_space<semaphore_mem>>)
      %dma_wait3A = arith.constant 0 : i32
      %dma_wait3A_46 = tpu.memref_slice %arg11[%add3A_9, %dma_wait3A] : memref<10240x128xf32, #tpu.memory_space<vmem_shared>> -> memref<64x128xf32, #tpu.memory_space<vmem_shared>>
      %dma_wait3A_47 = arith.constant 0 : i32
      %dma_wait3A_48 = tpu.memref_slice %arg11[%add3A_9, %dma_wait3A_47] : memref<10240x128xf32, #tpu.memory_space<vmem_shared>> -> memref<64x128xf32, #tpu.memory_space<vmem_shared>>
      tpu.wait_dma2 semaphore(%run_scoped3A : memref<!tpu.dma_semaphore, #tpu.memory_space<semaphore_mem>>) src(%arg10 : memref<64x128xf32, #tpu.memory_space<vmem>>) dst(%dma_wait3A_48 : memref<64x128xf32, #tpu.memory_space<vmem_shared>>)
      tpu.yield
    }) : () -> ()
    %add3A_10 = arith.constant 192 : i32
    %add3A_11 = arith.addi %mul3A_4, %add3A_10 : i32
    "tpu.region"() ({
      %run_scoped3A = tpu.sem_alloc : memref<!tpu.dma_semaphore, #tpu.memory_space<semaphore_mem>>
      %dma_start3A = arith.constant 0 : i32
      %dma_start3A_43 = tpu.memref_slice %arg11[%add3A_11, %dma_start3A] : memref<10240x128xf32, #tpu.memory_space<vmem_shared>> -> memref<64x128xf32, #tpu.memory_space<vmem_shared>>
      %dma_start3A_44 = arith.constant 0 : i32
      %dma_start3A_45 = tpu.memref_slice %arg11[%add3A_11, %dma_start3A_44] : memref<10240x128xf32, #tpu.memory_space<vmem_shared>> -> memref<64x128xf32, #tpu.memory_space<vmem_shared>>
      tpu.enqueue_dma source(%arg10 : memref<64x128xf32, #tpu.memory_space<vmem>>) target(%dma_start3A_45 : memref<64x128xf32, #tpu.memory_space<vmem_shared>>) target_semaphore(%run_scoped3A : memref<!tpu.dma_semaphore, #tpu.memory_space<semaphore_mem>>)
      %dma_wait3A = arith.constant 0 : i32
      %dma_wait3A_46 = tpu.memref_slice %arg11[%add3A_11, %dma_wait3A] : memref<10240x128xf32, #tpu.memory_space<vmem_shared>> -> memref<64x128xf32, #tpu.memory_space<vmem_shared>>
      %dma_wait3A_47 = arith.constant 0 : i32
      %dma_wait3A_48 = tpu.memref_slice %arg11[%add3A_11, %dma_wait3A_47] : memref<10240x128xf32, #tpu.memory_space<vmem_shared>> -> memref<64x128xf32, #tpu.memory_space<vmem_shared>>
      tpu.wait_dma2 semaphore(%run_scoped3A : memref<!tpu.dma_semaphore, #tpu.memory_space<semaphore_mem>>) src(%arg10 : memref<64x128xf32, #tpu.memory_space<vmem>>) dst(%dma_wait3A_48 : memref<64x128xf32, #tpu.memory_space<vmem_shared>>)
      tpu.yield
    }) : () -> ()
    %add3A_12 = arith.constant 256 : i32
    %add3A_13 = arith.addi %mul3A_4, %add3A_12 : i32
    "tpu.region"() ({
      %run_scoped3A = tpu.sem_alloc : memref<!tpu.dma_semaphore, #tpu.memory_space<semaphore_mem>>
      %dma_start3A = arith.constant 0 : i32
      %dma_start3A_43 = tpu.memref_slice %arg11[%add3A_13, %dma_start3A] : memref<10240x128xf32, #tpu.memory_space<vmem_shared>> -> memref<64x128xf32, #tpu.memory_space<vmem_shared>>
      %dma_start3A_44 = arith.constant 0 : i32
      %dma_start3A_45 = tpu.memref_slice %arg11[%add3A_13, %dma_start3A_44] : memref<10240x128xf32, #tpu.memory_space<vmem_shared>> -> memref<64x128xf32, #tpu.memory_space<vmem_shared>>
      tpu.enqueue_dma source(%arg10 : memref<64x128xf32, #tpu.memory_space<vmem>>) target(%dma_start3A_45 : memref<64x128xf32, #tpu.memory_space<vmem_shared>>) target_semaphore(%run_scoped3A : memref<!tpu.dma_semaphore, #tpu.memory_space<semaphore_mem>>)
      %dma_wait3A = arith.constant 0 : i32
      %dma_wait3A_46 = tpu.memref_slice %arg11[%add3A_13, %dma_wait3A] : memref<10240x128xf32, #tpu.memory_space<vmem_shared>> -> memref<64x128xf32, #tpu.memory_space<vmem_shared>>
      %dma_wait3A_47 = arith.constant 0 : i32
      %dma_wait3A_48 = tpu.memref_slice %arg11[%add3A_13, %dma_wait3A_47] : memref<10240x128xf32, #tpu.memory_space<vmem_shared>> -> memref<64x128xf32, #tpu.memory_space<vmem_shared>>
      tpu.wait_dma2 semaphore(%run_scoped3A : memref<!tpu.dma_semaphore, #tpu.memory_space<semaphore_mem>>) src(%arg10 : memref<64x128xf32, #tpu.memory_space<vmem>>) dst(%dma_wait3A_48 : memref<64x128xf32, #tpu.memory_space<vmem_shared>>)
      tpu.yield
    }) : () -> ()
    %add3A_14 = arith.constant 320 : i32
    %add3A_15 = arith.addi %mul3A_4, %add3A_14 : i32
    "tpu.region"() ({
      %run_scoped3A = tpu.sem_alloc : memref<!tpu.dma_semaphore, #tpu.memory_space<semaphore_mem>>
      %dma_start3A = arith.constant 0 : i32
      %dma_start3A_43 = tpu.memref_slice %arg11[%add3A_15, %dma_start3A] : memref<10240x128xf32, #tpu.memory_space<vmem_shared>> -> memref<64x128xf32, #tpu.memory_space<vmem_shared>>
      %dma_start3A_44 = arith.constant 0 : i32
      %dma_start3A_45 = tpu.memref_slice %arg11[%add3A_15, %dma_start3A_44] : memref<10240x128xf32, #tpu.memory_space<vmem_shared>> -> memref<64x128xf32, #tpu.memory_space<vmem_shared>>
      tpu.enqueue_dma source(%arg10 : memref<64x128xf32, #tpu.memory_space<vmem>>) target(%dma_start3A_45 : memref<64x128xf32, #tpu.memory_space<vmem_shared>>) target_semaphore(%run_scoped3A : memref<!tpu.dma_semaphore, #tpu.memory_space<semaphore_mem>>)
      %dma_wait3A = arith.constant 0 : i32
      %dma_wait3A_46 = tpu.memref_slice %arg11[%add3A_15, %dma_wait3A] : memref<10240x128xf32, #tpu.memory_space<vmem_shared>> -> memref<64x128xf32, #tpu.memory_space<vmem_shared>>
      %dma_wait3A_47 = arith.constant 0 : i32
      %dma_wait3A_48 = tpu.memref_slice %arg11[%add3A_15, %dma_wait3A_47] : memref<10240x128xf32, #tpu.memory_space<vmem_shared>> -> memref<64x128xf32, #tpu.memory_space<vmem_shared>>
      tpu.wait_dma2 semaphore(%run_scoped3A : memref<!tpu.dma_semaphore, #tpu.memory_space<semaphore_mem>>) src(%arg10 : memref<64x128xf32, #tpu.memory_space<vmem>>) dst(%dma_wait3A_48 : memref<64x128xf32, #tpu.memory_space<vmem_shared>>)
      tpu.yield
    }) : () -> ()
    %add3A_16 = arith.constant 384 : i32
    %add3A_17 = arith.addi %mul3A_4, %add3A_16 : i32
    "tpu.region"() ({
      %run_scoped3A = tpu.sem_alloc : memref<!tpu.dma_semaphore, #tpu.memory_space<semaphore_mem>>
      %dma_start3A = arith.constant 0 : i32
      %dma_start3A_43 = tpu.memref_slice %arg11[%add3A_17, %dma_start3A] : memref<10240x128xf32, #tpu.memory_space<vmem_shared>> -> memref<64x128xf32, #tpu.memory_space<vmem_shared>>
      %dma_start3A_44 = arith.constant 0 : i32
      %dma_start3A_45 = tpu.memref_slice %arg11[%add3A_17, %dma_start3A_44] : memref<10240x128xf32, #tpu.memory_space<vmem_shared>> -> memref<64x128xf32, #tpu.memory_space<vmem_shared>>
      tpu.enqueue_dma source(%arg10 : memref<64x128xf32, #tpu.memory_space<vmem>>) target(%dma_start3A_45 : memref<64x128xf32, #tpu.memory_space<vmem_shared>>) target_semaphore(%run_scoped3A : memref<!tpu.dma_semaphore, #tpu.memory_space<semaphore_mem>>)
      %dma_wait3A = arith.constant 0 : i32
      %dma_wait3A_46 = tpu.memref_slice %arg11[%add3A_17, %dma_wait3A] : memref<10240x128xf32, #tpu.memory_space<vmem_shared>> -> memref<64x128xf32, #tpu.memory_space<vmem_shared>>
      %dma_wait3A_47 = arith.constant 0 : i32
      %dma_wait3A_48 = tpu.memref_slice %arg11[%add3A_17, %dma_wait3A_47] : memref<10240x128xf32, #tpu.memory_space<vmem_shared>> -> memref<64x128xf32, #tpu.memory_space<vmem_shared>>
      tpu.wait_dma2 semaphore(%run_scoped3A : memref<!tpu.dma_semaphore, #tpu.memory_space<semaphore_mem>>) src(%arg10 : memref<64x128xf32, #tpu.memory_space<vmem>>) dst(%dma_wait3A_48 : memref<64x128xf32, #tpu.memory_space<vmem_shared>>)
      tpu.yield
    }) : () -> ()
    %add3A_18 = arith.constant 448 : i32
    %add3A_19 = arith.addi %mul3A_4, %add3A_18 : i32
    "tpu.region"() ({
      %run_scoped3A = tpu.sem_alloc : memref<!tpu.dma_semaphore, #tpu.memory_space<semaphore_mem>>
      %dma_start3A = arith.constant 0 : i32
      %dma_start3A_43 = tpu.memref_slice %arg11[%add3A_19, %dma_start3A] : memref<10240x128xf32, #tpu.memory_space<vmem_shared>> -> memref<64x128xf32, #tpu.memory_space<vmem_shared>>
      %dma_start3A_44 = arith.constant 0 : i32
      %dma_start3A_45 = tpu.memref_slice %arg11[%add3A_19, %dma_start3A_44] : memref<10240x128xf32, #tpu.memory_space<vmem_shared>> -> memref<64x128xf32, #tpu.memory_space<vmem_shared>>
      tpu.enqueue_dma source(%arg10 : memref<64x128xf32, #tpu.memory_space<vmem>>) target(%dma_start3A_45 : memref<64x128xf32, #tpu.memory_space<vmem_shared>>) target_semaphore(%run_scoped3A : memref<!tpu.dma_semaphore, #tpu.memory_space<semaphore_mem>>)
      %dma_wait3A = arith.constant 0 : i32
      %dma_wait3A_46 = tpu.memref_slice %arg11[%add3A_19, %dma_wait3A] : memref<10240x128xf32, #tpu.memory_space<vmem_shared>> -> memref<64x128xf32, #tpu.memory_space<vmem_shared>>
      %dma_wait3A_47 = arith.constant 0 : i32
      %dma_wait3A_48 = tpu.memref_slice %arg11[%add3A_19, %dma_wait3A_47] : memref<10240x128xf32, #tpu.memory_space<vmem_shared>> -> memref<64x128xf32, #tpu.memory_space<vmem_shared>>
      tpu.wait_dma2 semaphore(%run_scoped3A : memref<!tpu.dma_semaphore, #tpu.memory_space<semaphore_mem>>) src(%arg10 : memref<64x128xf32, #tpu.memory_space<vmem>>) dst(%dma_wait3A_48 : memref<64x128xf32, #tpu.memory_space<vmem_shared>>)
      tpu.yield
    }) : () -> ()
    %add3A_20 = arith.constant 512 : i32
    %add3A_21 = arith.addi %mul3A_4, %add3A_20 : i32
    "tpu.region"() ({
      %run_scoped3A = tpu.sem_alloc : memref<!tpu.dma_semaphore, #tpu.memory_space<semaphore_mem>>
      %dma_start3A = arith.constant 0 : i32
      %dma_start3A_43 = tpu.memref_slice %arg11[%add3A_21, %dma_start3A] : memref<10240x128xf32, #tpu.memory_space<vmem_shared>> -> memref<64x128xf32, #tpu.memory_space<vmem_shared>>
      %dma_start3A_44 = arith.constant 0 : i32
      %dma_start3A_45 = tpu.memref_slice %arg11[%add3A_21, %dma_start3A_44] : memref<10240x128xf32, #tpu.memory_space<vmem_shared>> -> memref<64x128xf32, #tpu.memory_space<vmem_shared>>
      tpu.enqueue_dma source(%arg10 : memref<64x128xf32, #tpu.memory_space<vmem>>) target(%dma_start3A_45 : memref<64x128xf32, #tpu.memory_space<vmem_shared>>) target_semaphore(%run_scoped3A : memref<!tpu.dma_semaphore, #tpu.memory_space<semaphore_mem>>)
      %dma_wait3A = arith.constant 0 : i32
      %dma_wait3A_46 = tpu.memref_slice %arg11[%add3A_21, %dma_wait3A] : memref<10240x128xf32, #tpu.memory_space<vmem_shared>> -> memref<64x128xf32, #tpu.memory_space<vmem_shared>>
      %dma_wait3A_47 = arith.constant 0 : i32
      %dma_wait3A_48 = tpu.memref_slice %arg11[%add3A_21, %dma_wait3A_47] : memref<10240x128xf32, #tpu.memory_space<vmem_shared>> -> memref<64x128xf32, #tpu.memory_space<vmem_shared>>
      tpu.wait_dma2 semaphore(%run_scoped3A : memref<!tpu.dma_semaphore, #tpu.memory_space<semaphore_mem>>) src(%arg10 : memref<64x128xf32, #tpu.memory_space<vmem>>) dst(%dma_wait3A_48 : memref<64x128xf32, #tpu.memory_space<vmem_shared>>)
      tpu.yield
    }) : () -> ()
    %add3A_22 = arith.constant 576 : i32
    %add3A_23 = arith.addi %mul3A_4, %add3A_22 : i32
    "tpu.region"() ({
      %run_scoped3A = tpu.sem_alloc : memref<!tpu.dma_semaphore, #tpu.memory_space<semaphore_mem>>
      %dma_start3A = arith.constant 0 : i32
      %dma_start3A_43 = tpu.memref_slice %arg11[%add3A_23, %dma_start3A] : memref<10240x128xf32, #tpu.memory_space<vmem_shared>> -> memref<64x128xf32, #tpu.memory_space<vmem_shared>>
      %dma_start3A_44 = arith.constant 0 : i32
      %dma_start3A_45 = tpu.memref_slice %arg11[%add3A_23, %dma_start3A_44] : memref<10240x128xf32, #tpu.memory_space<vmem_shared>> -> memref<64x128xf32, #tpu.memory_space<vmem_shared>>
      tpu.enqueue_dma source(%arg10 : memref<64x128xf32, #tpu.memory_space<vmem>>) target(%dma_start3A_45 : memref<64x128xf32, #tpu.memory_space<vmem_shared>>) target_semaphore(%run_scoped3A : memref<!tpu.dma_semaphore, #tpu.memory_space<semaphore_mem>>)
      %dma_wait3A = arith.constant 0 : i32
      %dma_wait3A_46 = tpu.memref_slice %arg11[%add3A_23, %dma_wait3A] : memref<10240x128xf32, #tpu.memory_space<vmem_shared>> -> memref<64x128xf32, #tpu.memory_space<vmem_shared>>
      %dma_wait3A_47 = arith.constant 0 : i32
      %dma_wait3A_48 = tpu.memref_slice %arg11[%add3A_23, %dma_wait3A_47] : memref<10240x128xf32, #tpu.memory_space<vmem_shared>> -> memref<64x128xf32, #tpu.memory_space<vmem_shared>>
      tpu.wait_dma2 semaphore(%run_scoped3A : memref<!tpu.dma_semaphore, #tpu.memory_space<semaphore_mem>>) src(%arg10 : memref<64x128xf32, #tpu.memory_space<vmem>>) dst(%dma_wait3A_48 : memref<64x128xf32, #tpu.memory_space<vmem_shared>>)
      tpu.yield
    }) : () -> ()
    %barrier3A = arith.constant 0 : index
    tpu.barrier barrier_id(%barrier3A)
    %lt3A = arith.constant 2 : i32
    %lt3A_24 = arith.cmpi slt, %arg1, %lt3A : i32
    %jit3A = arith.constant 79 : i32
    %jit3A_25 = arith.constant 78 : i32
    %select_n3A = arith.select %lt3A_24, %jit3A, %jit3A_25 : i32
    %sub3A = arith.constant 0 : i32
    %sub3A_26 = arith.subi %select_n3A, %sub3A : i32
    %sub3A_27 = arith.constant 1 : i32
    %sub3A_28 = arith.constant 1 : i32
    %sub3A_29 = arith.subi %sub3A_27, %sub3A_28 : i32
    %add3A_30 = arith.addi %sub3A_26, %sub3A_29 : i32
    %div3A = arith.constant 1 : i32
    %div3A_31 = arith.divsi %add3A_30, %div3A : i32
    %while3A = arith.constant 1 : i32
    %while3A_32 = arith.constant 0 : i32
    %while3A_33 = arith.constant 0 : i32
    %while3A_34 = arith.subi %div3A_31, %while3A_33 : i32
    %while3A_35 = arith.addi %while3A_33, %while3A_34 : i32
    %while3A_36 = arith.constant 1 : i32
    %while3A_37 = arith.divsi %while3A_34, %while3A_36 : i32
    %while3A_38 = arith.muli %while3A_37, %while3A_36 : i32
    %while3A_39 = arith.addi %while3A_33, %while3A_38 : i32
    %while3A_40 = arith.constant 1 : i32
    scf.for %while3A_43 = %while3A_33 to %while3A_39 step %while3A_40  : i32 {
      %mul3A_44 = arith.muli %while3A_43, %while3A : i32
      %add3A_45 = arith.addi %while3A_32, %mul3A_44 : i32
      %mul3A_46 = arith.constant 1250 : i32
      %mul3A_47 = arith.muli %arg0, %mul3A_46 : i32
      %add3A_48 = arith.addi %mul3A_47, %arg1 : i32
      %mul3A_49 = arith.constant 16 : i32
      %mul3A_50 = arith.muli %add3A_45, %mul3A_49 : i32
      %add3A_51 = arith.addi %add3A_48, %mul3A_50 : i32
      %mul3A_52 = arith.constant 128 : i32
      %mul3A_53 = arith.muli %add3A_51, %mul3A_52 : i32
      "tpu.region"() ({
        %run_scoped3A = tpu.sem_alloc : memref<!tpu.dma_semaphore, #tpu.memory_space<semaphore_mem>>
        %dma_start3A = tpu.memref_slice %arg3[%mul3A_53] : memref<320000xi32, #tpu.memory_space<hbm>> -> memref<128xi32, #tpu.memory_space<hbm>>
        %dma_start3A_59 = tpu.memref_slice %arg3[%mul3A_53] : memref<320000xi32, #tpu.memory_space<hbm>> -> memref<128xi32, #tpu.memory_space<hbm>>
        tpu.enqueue_dma source(%dma_start3A_59 : memref<128xi32, #tpu.memory_space<hbm>>) target(%arg7 : memref<128xi32, #tpu.memory_space<vmem>>) target_semaphore(%run_scoped3A : memref<!tpu.dma_semaphore, #tpu.memory_space<semaphore_mem>>)
        %dma_wait3A = tpu.memref_slice %arg3[%mul3A_53] : memref<320000xi32, #tpu.memory_space<hbm>> -> memref<128xi32, #tpu.memory_space<hbm>>
        %dma_wait3A_60 = tpu.memref_slice %arg3[%mul3A_53] : memref<320000xi32, #tpu.memory_space<hbm>> -> memref<128xi32, #tpu.memory_space<hbm>>
        tpu.wait_dma2 semaphore(%run_scoped3A : memref<!tpu.dma_semaphore, #tpu.memory_space<semaphore_mem>>) src(%dma_wait3A_60 : memref<128xi32, #tpu.memory_space<hbm>>) dst(%arg7 : memref<128xi32, #tpu.memory_space<vmem>>)
        tpu.yield
      }) : () -> ()
      "tpu.region"() ({
        %run_scoped3A = tpu.sem_alloc : memref<!tpu.dma_semaphore, #tpu.memory_space<semaphore_mem>>
        %dma_start3A = arith.constant 0 : i32
        %dma_start3A_59 = arith.constant 0 : i32
        %dma_start3A_60 = tpu.memref_slice %arg2[%dma_start3A, %dma_start3A_59] : memref<10000x128xf32, #tpu.memory_space<hbm>> -> memref<10000x128xf32, #tpu.memory_space<hbm>>
        tpu.enqueue_indirect_dma source(%dma_start3A_60 : memref<10000x128xf32, #tpu.memory_space<hbm>>) target(%arg8 : memref<128x128xf32, #tpu.memory_space<vmem>>) offsets(%arg7 : memref<128xi32, #tpu.memory_space<vmem>>) semaphore(%run_scoped3A : memref<!tpu.dma_semaphore, #tpu.memory_space<semaphore_mem>>)
        %dma_wait3A = arith.constant 0 : i32
        %dma_wait3A_61 = arith.constant 0 : i32
        %dma_wait3A_62 = tpu.memref_slice %arg2[%dma_wait3A, %dma_wait3A_61] : memref<10000x128xf32, #tpu.memory_space<hbm>> -> memref<10000x128xf32, #tpu.memory_space<hbm>>
        tpu.wait_indirect_dma semaphore(%run_scoped3A : memref<!tpu.dma_semaphore, #tpu.memory_space<semaphore_mem>>) src(%dma_wait3A_62 : memref<10000x128xf32, #tpu.memory_space<hbm>>) dst(%arg8 : memref<128x128xf32, #tpu.memory_space<vmem>>)
        tpu.yield
      }) : () -> ()
      %scan3A_54 = arith.constant 0 : i32
      %scan3A_55 = arith.constant 8 : i32
      %scan3A_56 = arith.addi %scan3A_54, %scan3A_55 : i32
      %scan3A_57 = arith.constant 1 : i32
      scf.for %scan3A_59 = %scan3A_54 to %scan3A_56 step %scan3A_57  : i32 {
        %mul3A_60 = arith.constant 1 : i32
        %mul3A_61 = arith.muli %scan3A_59, %mul3A_60 : i32
        %add3A_62 = arith.constant 0 : i32
        %add3A_63 = arith.addi %add3A_62, %mul3A_61 : i32
        %iota3A = tpu.iota {dimensions = array<i32: 0>} : vector<16xi32>
        %mul3A_64 = arith.constant 16 : i32
        %mul3A_65 = arith.muli %add3A_63, %mul3A_64 : i32
        %add3A_66 = arith.addi %mul3A_53, %mul3A_65 : i32
        %add3A_67 = vector.broadcast %add3A_66 : i32 to vector<16xi32>
        %add3A_68 = arith.addi %iota3A, %add3A_67 : vector<16xi32>
        %broadcast_in_dim3A = arith.constant 0 : i32
        %broadcast_in_dim3A_69 = vector.broadcast %broadcast_in_dim3A : i32 to vector<16xi32>
        %add3A_70 = arith.constant 8192 : i32
        %add3A_71 = vector.broadcast %add3A_70 : i32 to vector<16xi32>
        %add3A_72 = arith.addi %broadcast_in_dim3A_69, %add3A_71 : vector<16xi32>
        %sub3A_73 = arith.constant 1 : i32
        %sub3A_74 = vector.broadcast %sub3A_73 : i32 to vector<16xi32>
        %sub3A_75 = arith.subi %add3A_72, %sub3A_74 : vector<16xi32>
        %gather3A = tpu.vector_load_idx %arg6[%sub3A_75] : memref<16384xi32, #tpu.memory_space<vmem>>[vector<16xi32>], vector<16xi32>,
        %le3A = arith.cmpi sle, %gather3A, %add3A_68 : vector<16xi32>
        %select_n3A_76 = arith.select %le3A, %add3A_72, %broadcast_in_dim3A_69 : vector<16xi1>, vector<16xi32>
        %add3A_77 = arith.constant 4096 : i32
        %add3A_78 = vector.broadcast %add3A_77 : i32 to vector<16xi32>
        %add3A_79 = arith.addi %select_n3A_76, %add3A_78 : vector<16xi32>
        %sub3A_80 = arith.constant 1 : i32
        %sub3A_81 = vector.broadcast %sub3A_80 : i32 to vector<16xi32>
        %sub3A_82 = arith.subi %add3A_79, %sub3A_81 : vector<16xi32>
        %gather3A_83 = tpu.vector_load_idx %arg6[%sub3A_82] : memref<16384xi32, #tpu.memory_space<vmem>>[vector<16xi32>], vector<16xi32>,
        %le3A_84 = arith.cmpi sle, %gather3A_83, %add3A_68 : vector<16xi32>
        %select_n3A_85 = arith.select %le3A_84, %add3A_79, %select_n3A_76 : vector<16xi1>, vector<16xi32>
        %add3A_86 = arith.constant 2048 : i32
        %add3A_87 = vector.broadcast %add3A_86 : i32 to vector<16xi32>
        %add3A_88 = arith.addi %select_n3A_85, %add3A_87 : vector<16xi32>
        %sub3A_89 = arith.constant 1 : i32
        %sub3A_90 = vector.broadcast %sub3A_89 : i32 to vector<16xi32>
        %sub3A_91 = arith.subi %add3A_88, %sub3A_90 : vector<16xi32>
        %gather3A_92 = tpu.vector_load_idx %arg6[%sub3A_91] : memref<16384xi32, #tpu.memory_space<vmem>>[vector<16xi32>], vector<16xi32>,
        %le3A_93 = arith.cmpi sle, %gather3A_92, %add3A_68 : vector<16xi32>
        %select_n3A_94 = arith.select %le3A_93, %add3A_88, %select_n3A_85 : vector<16xi1>, vector<16xi32>
        %add3A_95 = arith.constant 1024 : i32
        %add3A_96 = vector.broadcast %add3A_95 : i32 to vector<16xi32>
        %add3A_97 = arith.addi %select_n3A_94, %add3A_96 : vector<16xi32>
        %sub3A_98 = arith.constant 1 : i32
        %sub3A_99 = vector.broadcast %sub3A_98 : i32 to vector<16xi32>
        %sub3A_100 = arith.subi %add3A_97, %sub3A_99 : vector<16xi32>
        %gather3A_101 = tpu.vector_load_idx %arg6[%sub3A_100] : memref<16384xi32, #tpu.memory_space<vmem>>[vector<16xi32>], vector<16xi32>,
        %le3A_102 = arith.cmpi sle, %gather3A_101, %add3A_68 : vector<16xi32>
        %select_n3A_103 = arith.select %le3A_102, %add3A_97, %select_n3A_94 : vector<16xi1>, vector<16xi32>
        %add3A_104 = arith.constant 512 : i32
        %add3A_105 = vector.broadcast %add3A_104 : i32 to vector<16xi32>
        %add3A_106 = arith.addi %select_n3A_103, %add3A_105 : vector<16xi32>
        %sub3A_107 = arith.constant 1 : i32
        %sub3A_108 = vector.broadcast %sub3A_107 : i32 to vector<16xi32>
        %sub3A_109 = arith.subi %add3A_106, %sub3A_108 : vector<16xi32>
        %gather3A_110 = tpu.vector_load_idx %arg6[%sub3A_109] : memref<16384xi32, #tpu.memory_space<vmem>>[vector<16xi32>], vector<16xi32>,
        %le3A_111 = arith.cmpi sle, %gather3A_110, %add3A_68 : vector<16xi32>
        %select_n3A_112 = arith.select %le3A_111, %add3A_106, %select_n3A_103 : vector<16xi1>, vector<16xi32>
        %add3A_113 = arith.constant 256 : i32
        %add3A_114 = vector.broadcast %add3A_113 : i32 to vector<16xi32>
        %add3A_115 = arith.addi %select_n3A_112, %add3A_114 : vector<16xi32>
        %sub3A_116 = arith.constant 1 : i32
        %sub3A_117 = vector.broadcast %sub3A_116 : i32 to vector<16xi32>
        %sub3A_118 = arith.subi %add3A_115, %sub3A_117 : vector<16xi32>
        %gather3A_119 = tpu.vector_load_idx %arg6[%sub3A_118] : memref<16384xi32, #tpu.memory_space<vmem>>[vector<16xi32>], vector<16xi32>,
        %le3A_120 = arith.cmpi sle, %gather3A_119, %add3A_68 : vector<16xi32>
        %select_n3A_121 = arith.select %le3A_120, %add3A_115, %select_n3A_112 : vector<16xi1>, vector<16xi32>
        %add3A_122 = arith.constant 128 : i32
        %add3A_123 = vector.broadcast %add3A_122 : i32 to vector<16xi32>
        %add3A_124 = arith.addi %select_n3A_121, %add3A_123 : vector<16xi32>
        %sub3A_125 = arith.constant 1 : i32
        %sub3A_126 = vector.broadcast %sub3A_125 : i32 to vector<16xi32>
        %sub3A_127 = arith.subi %add3A_124, %sub3A_126 : vector<16xi32>
        %gather3A_128 = tpu.vector_load_idx %arg6[%sub3A_127] : memref<16384xi32, #tpu.memory_space<vmem>>[vector<16xi32>], vector<16xi32>,
        %le3A_129 = arith.cmpi sle, %gather3A_128, %add3A_68 : vector<16xi32>
        %select_n3A_130 = arith.select %le3A_129, %add3A_124, %select_n3A_121 : vector<16xi1>, vector<16xi32>
        %add3A_131 = arith.constant 64 : i32
        %add3A_132 = vector.broadcast %add3A_131 : i32 to vector<16xi32>
        %add3A_133 = arith.addi %select_n3A_130, %add3A_132 : vector<16xi32>
        %sub3A_134 = arith.constant 1 : i32
        %sub3A_135 = vector.broadcast %sub3A_134 : i32 to vector<16xi32>
        %sub3A_136 = arith.subi %add3A_133, %sub3A_135 : vector<16xi32>
        %gather3A_137 = tpu.vector_load_idx %arg6[%sub3A_136] : memref<16384xi32, #tpu.memory_space<vmem>>[vector<16xi32>], vector<16xi32>,
        %le3A_138 = arith.cmpi sle, %gather3A_137, %add3A_68 : vector<16xi32>
        %select_n3A_139 = arith.select %le3A_138, %add3A_133, %select_n3A_130 : vector<16xi1>, vector<16xi32>
        %add3A_140 = arith.constant 32 : i32
        %add3A_141 = vector.broadcast %add3A_140 : i32 to vector<16xi32>
        %add3A_142 = arith.addi %select_n3A_139, %add3A_141 : vector<16xi32>
        %sub3A_143 = arith.constant 1 : i32
        %sub3A_144 = vector.broadcast %sub3A_143 : i32 to vector<16xi32>
        %sub3A_145 = arith.subi %add3A_142, %sub3A_144 : vector<16xi32>
        %gather3A_146 = tpu.vector_load_idx %arg6[%sub3A_145] : memref<16384xi32, #tpu.memory_space<vmem>>[vector<16xi32>], vector<16xi32>,
        %le3A_147 = arith.cmpi sle, %gather3A_146, %add3A_68 : vector<16xi32>
        %select_n3A_148 = arith.select %le3A_147, %add3A_142, %select_n3A_139 : vector<16xi1>, vector<16xi32>
        %add3A_149 = arith.constant 16 : i32
        %add3A_150 = vector.broadcast %add3A_149 : i32 to vector<16xi32>
        %add3A_151 = arith.addi %select_n3A_148, %add3A_150 : vector<16xi32>
        %sub3A_152 = arith.constant 1 : i32
        %sub3A_153 = vector.broadcast %sub3A_152 : i32 to vector<16xi32>
        %sub3A_154 = arith.subi %add3A_151, %sub3A_153 : vector<16xi32>
        %gather3A_155 = tpu.vector_load_idx %arg6[%sub3A_154] : memref<16384xi32, #tpu.memory_space<vmem>>[vector<16xi32>], vector<16xi32>,
        %le3A_156 = arith.cmpi sle, %gather3A_155, %add3A_68 : vector<16xi32>
        %select_n3A_157 = arith.select %le3A_156, %add3A_151, %select_n3A_148 : vector<16xi1>, vector<16xi32>
        %add3A_158 = arith.constant 8 : i32
        %add3A_159 = vector.broadcast %add3A_158 : i32 to vector<16xi32>
        %add3A_160 = arith.addi %select_n3A_157, %add3A_159 : vector<16xi32>
        %sub3A_161 = arith.constant 1 : i32
        %sub3A_162 = vector.broadcast %sub3A_161 : i32 to vector<16xi32>
        %sub3A_163 = arith.subi %add3A_160, %sub3A_162 : vector<16xi32>
        %gather3A_164 = tpu.vector_load_idx %arg6[%sub3A_163] : memref<16384xi32, #tpu.memory_space<vmem>>[vector<16xi32>], vector<16xi32>,
        %le3A_165 = arith.cmpi sle, %gather3A_164, %add3A_68 : vector<16xi32>
        %select_n3A_166 = arith.select %le3A_165, %add3A_160, %select_n3A_157 : vector<16xi1>, vector<16xi32>
        %add3A_167 = arith.constant 4 : i32
        %add3A_168 = vector.broadcast %add3A_167 : i32 to vector<16xi32>
        %add3A_169 = arith.addi %select_n3A_166, %add3A_168 : vector<16xi32>
        %sub3A_170 = arith.constant 1 : i32
        %sub3A_171 = vector.broadcast %sub3A_170 : i32 to vector<16xi32>
        %sub3A_172 = arith.subi %add3A_169, %sub3A_171 : vector<16xi32>
        %gather3A_173 = tpu.vector_load_idx %arg6[%sub3A_172] : memref<16384xi32, #tpu.memory_space<vmem>>[vector<16xi32>], vector<16xi32>,
        %le3A_174 = arith.cmpi sle, %gather3A_173, %add3A_68 : vector<16xi32>
        %select_n3A_175 = arith.select %le3A_174, %add3A_169, %select_n3A_166 : vector<16xi1>, vector<16xi32>
        %add3A_176 = arith.constant 2 : i32
        %add3A_177 = vector.broadcast %add3A_176 : i32 to vector<16xi32>
        %add3A_178 = arith.addi %select_n3A_175, %add3A_177 : vector<16xi32>
        %sub3A_179 = arith.constant 1 : i32
        %sub3A_180 = vector.broadcast %sub3A_179 : i32 to vector<16xi32>
        %sub3A_181 = arith.subi %add3A_178, %sub3A_180 : vector<16xi32>
        %gather3A_182 = tpu.vector_load_idx %arg6[%sub3A_181] : memref<16384xi32, #tpu.memory_space<vmem>>[vector<16xi32>], vector<16xi32>,
        %le3A_183 = arith.cmpi sle, %gather3A_182, %add3A_68 : vector<16xi32>
        %select_n3A_184 = arith.select %le3A_183, %add3A_178, %select_n3A_175 : vector<16xi1>, vector<16xi32>
        %add3A_185 = arith.constant 1 : i32
        %add3A_186 = vector.broadcast %add3A_185 : i32 to vector<16xi32>
        %add3A_187 = arith.addi %select_n3A_184, %add3A_186 : vector<16xi32>
        %sub3A_188 = arith.constant 1 : i32
        %sub3A_189 = vector.broadcast %sub3A_188 : i32 to vector<16xi32>
        %sub3A_190 = arith.subi %add3A_187, %sub3A_189 : vector<16xi32>
        %gather3A_191 = tpu.vector_load_idx %arg6[%sub3A_190] : memref<16384xi32, #tpu.memory_space<vmem>>[vector<16xi32>], vector<16xi32>,
        %le3A_192 = arith.cmpi sle, %gather3A_191, %add3A_68 : vector<16xi32>
        %select_n3A_193 = arith.select %le3A_192, %add3A_187, %select_n3A_184 : vector<16xi1>, vector<16xi32>
        %sub3A_194 = arith.constant 1 : i32
        %sub3A_195 = vector.broadcast %sub3A_194 : i32 to vector<16xi32>
        %sub3A_196 = arith.subi %select_n3A_193, %sub3A_195 : vector<16xi32>
        %ge3A = arith.constant 0 : i32
        %ge3A_197 = vector.broadcast %ge3A : i32 to vector<16xi32>
        %ge3A_198 = arith.cmpi sge, %sub3A_196, %ge3A_197 : vector<16xi32>
        %lt3A_199 = arith.constant 10000 : i32
        %lt3A_200 = vector.broadcast %lt3A_199 : i32 to vector<16xi32>
        %lt3A_201 = arith.cmpi slt, %sub3A_196, %lt3A_200 : vector<16xi32>
        %and3A = arith.andi %ge3A_198, %lt3A_201 : vector<16xi1>
        %jit3A_202 = arith.constant 10000 : i32
        %broadcast_in_dim3A_203 = vector.broadcast %jit3A_202 : i32 to vector<16xi32>
        %select_n3A_204 = arith.select %and3A, %sub3A_196, %broadcast_in_dim3A_203 : vector<16xi1>, vector<16xi32>
        %mul3A_205 = arith.constant 16 : i32
        %mul3A_206 = arith.muli %add3A_63, %mul3A_205 : i32
        %swap3A = arith.index_cast %mul3A_206 : i32 to index
        %swap3A_207 = tpu.vector_load %arg9[%swap3A] {strides = array<i32>} : memref<128xi32, #tpu.memory_space<vmem>>, vector<16xi32>,
        tpu.vector_store %arg9[%swap3A], %select_n3A_204 {strides = array<i32>} : memref<128xi32, #tpu.memory_space<vmem>>, vector<16xi32>,
      }
      %scan3A_58 = arith.constant 8 : i32
      "tpu.region"() ({
        %run_scoped3A = tpu.sem_alloc : memref<!tpu.dma_semaphore, #tpu.memory_space<semaphore_mem>>
        %dma_start3A = arith.constant 0 : i32
        %dma_start3A_59 = arith.constant 0 : i32
        %dma_start3A_60 = tpu.memref_slice %arg11[%dma_start3A, %dma_start3A_59] : memref<10240x128xf32, #tpu.memory_space<vmem_shared>> -> memref<10240x128xf32, #tpu.memory_space<vmem_shared>>
        tpu.enqueue_indirect_dma source(%arg8 : memref<128x128xf32, #tpu.memory_space<vmem>>) target(%dma_start3A_60 : memref<10240x128xf32, #tpu.memory_space<vmem_shared>>) offsets(%arg9 : memref<128xi32, #tpu.memory_space<vmem>>) semaphore(%run_scoped3A : memref<!tpu.dma_semaphore, #tpu.memory_space<semaphore_mem>>) {add = true}
        %dma_wait3A = arith.constant 0 : i32
        %dma_wait3A_61 = arith.constant 0 : i32
        %dma_wait3A_62 = tpu.memref_slice %arg11[%dma_wait3A, %dma_wait3A_61] : memref<10240x128xf32, #tpu.memory_space<vmem_shared>> -> memref<10240x128xf32, #tpu.memory_space<vmem_shared>>
        tpu.wait_indirect_dma semaphore(%run_scoped3A : memref<!tpu.dma_semaphore, #tpu.memory_space<semaphore_mem>>) src(%arg8 : memref<128x128xf32, #tpu.memory_space<vmem>>) dst(%dma_wait3A_62 : memref<10240x128xf32, #tpu.memory_space<vmem_shared>>)
        tpu.yield
      }) : () -> ()
    }
    %while3A_41 = arith.constant 1 : i32
    scf.for %while3A_43 = %while3A_39 to %while3A_35 step %while3A_41  : i32 {
      %mul3A_44 = arith.muli %while3A_43, %while3A : i32
      %add3A_45 = arith.addi %while3A_32, %mul3A_44 : i32
      %mul3A_46 = arith.constant 1250 : i32
      %mul3A_47 = arith.muli %arg0, %mul3A_46 : i32
      %add3A_48 = arith.addi %mul3A_47, %arg1 : i32
      %mul3A_49 = arith.constant 16 : i32
      %mul3A_50 = arith.muli %add3A_45, %mul3A_49 : i32
      %add3A_51 = arith.addi %add3A_48, %mul3A_50 : i32
      %mul3A_52 = arith.constant 128 : i32
      %mul3A_53 = arith.muli %add3A_51, %mul3A_52 : i32
      "tpu.region"() ({
        %run_scoped3A = tpu.sem_alloc : memref<!tpu.dma_semaphore, #tpu.memory_space<semaphore_mem>>
        %dma_start3A = tpu.memref_slice %arg3[%mul3A_53] : memref<320000xi32, #tpu.memory_space<hbm>> -> memref<128xi32, #tpu.memory_space<hbm>>
        %dma_start3A_59 = tpu.memref_slice %arg3[%mul3A_53] : memref<320000xi32, #tpu.memory_space<hbm>> -> memref<128xi32, #tpu.memory_space<hbm>>
        tpu.enqueue_dma source(%dma_start3A_59 : memref<128xi32, #tpu.memory_space<hbm>>) target(%arg7 : memref<128xi32, #tpu.memory_space<vmem>>) target_semaphore(%run_scoped3A : memref<!tpu.dma_semaphore, #tpu.memory_space<semaphore_mem>>)
        %dma_wait3A = tpu.memref_slice %arg3[%mul3A_53] : memref<320000xi32, #tpu.memory_space<hbm>> -> memref<128xi32, #tpu.memory_space<hbm>>
        %dma_wait3A_60 = tpu.memref_slice %arg3[%mul3A_53] : memref<320000xi32, #tpu.memory_space<hbm>> -> memref<128xi32, #tpu.memory_space<hbm>>
        tpu.wait_dma2 semaphore(%run_scoped3A : memref<!tpu.dma_semaphore, #tpu.memory_space<semaphore_mem>>) src(%dma_wait3A_60 : memref<128xi32, #tpu.memory_space<hbm>>) dst(%arg7 : memref<128xi32, #tpu.memory_space<vmem>>)
        tpu.yield
      }) : () -> ()
      "tpu.region"() ({
        %run_scoped3A = tpu.sem_alloc : memref<!tpu.dma_semaphore, #tpu.memory_space<semaphore_mem>>
        %dma_start3A = arith.constant 0 : i32
        %dma_start3A_59 = arith.constant 0 : i32
        %dma_start3A_60 = tpu.memref_slice %arg2[%dma_start3A, %dma_start3A_59] : memref<10000x128xf32, #tpu.memory_space<hbm>> -> memref<10000x128xf32, #tpu.memory_space<hbm>>
        tpu.enqueue_indirect_dma source(%dma_start3A_60 : memref<10000x128xf32, #tpu.memory_space<hbm>>) target(%arg8 : memref<128x128xf32, #tpu.memory_space<vmem>>) offsets(%arg7 : memref<128xi32, #tpu.memory_space<vmem>>) semaphore(%run_scoped3A : memref<!tpu.dma_semaphore, #tpu.memory_space<semaphore_mem>>)
        %dma_wait3A = arith.constant 0 : i32
        %dma_wait3A_61 = arith.constant 0 : i32
        %dma_wait3A_62 = tpu.memref_slice %arg2[%dma_wait3A, %dma_wait3A_61] : memref<10000x128xf32, #tpu.memory_space<hbm>> -> memref<10000x128xf32, #tpu.memory_space<hbm>>
        tpu.wait_indirect_dma semaphore(%run_scoped3A : memref<!tpu.dma_semaphore, #tpu.memory_space<semaphore_mem>>) src(%dma_wait3A_62 : memref<10000x128xf32, #tpu.memory_space<hbm>>) dst(%arg8 : memref<128x128xf32, #tpu.memory_space<vmem>>)
        tpu.yield
      }) : () -> ()
      %scan3A_54 = arith.constant 0 : i32
      %scan3A_55 = arith.constant 8 : i32
      %scan3A_56 = arith.addi %scan3A_54, %scan3A_55 : i32
      %scan3A_57 = arith.constant 1 : i32
      scf.for %scan3A_59 = %scan3A_54 to %scan3A_56 step %scan3A_57  : i32 {
        %mul3A_60 = arith.constant 1 : i32
        %mul3A_61 = arith.muli %scan3A_59, %mul3A_60 : i32
        %add3A_62 = arith.constant 0 : i32
        %add3A_63 = arith.addi %add3A_62, %mul3A_61 : i32
        %iota3A = tpu.iota {dimensions = array<i32: 0>} : vector<16xi32>
        %mul3A_64 = arith.constant 16 : i32
        %mul3A_65 = arith.muli %add3A_63, %mul3A_64 : i32
        %add3A_66 = arith.addi %mul3A_53, %mul3A_65 : i32
        %add3A_67 = vector.broadcast %add3A_66 : i32 to vector<16xi32>
        %add3A_68 = arith.addi %iota3A, %add3A_67 : vector<16xi32>
        %broadcast_in_dim3A = arith.constant 0 : i32
        %broadcast_in_dim3A_69 = vector.broadcast %broadcast_in_dim3A : i32 to vector<16xi32>
        %add3A_70 = arith.constant 8192 : i32
        %add3A_71 = vector.broadcast %add3A_70 : i32 to vector<16xi32>
        %add3A_72 = arith.addi %broadcast_in_dim3A_69, %add3A_71 : vector<16xi32>
        %sub3A_73 = arith.constant 1 : i32
        %sub3A_74 = vector.broadcast %sub3A_73 : i32 to vector<16xi32>
        %sub3A_75 = arith.subi %add3A_72, %sub3A_74 : vector<16xi32>
        %gather3A = tpu.vector_load_idx %arg6[%sub3A_75] : memref<16384xi32, #tpu.memory_space<vmem>>[vector<16xi32>], vector<16xi32>,
        %le3A = arith.cmpi sle, %gather3A, %add3A_68 : vector<16xi32>
        %select_n3A_76 = arith.select %le3A, %add3A_72, %broadcast_in_dim3A_69 : vector<16xi1>, vector<16xi32>
        %add3A_77 = arith.constant 4096 : i32
        %add3A_78 = vector.broadcast %add3A_77 : i32 to vector<16xi32>
        %add3A_79 = arith.addi %select_n3A_76, %add3A_78 : vector<16xi32>
        %sub3A_80 = arith.constant 1 : i32
        %sub3A_81 = vector.broadcast %sub3A_80 : i32 to vector<16xi32>
        %sub3A_82 = arith.subi %add3A_79, %sub3A_81 : vector<16xi32>
        %gather3A_83 = tpu.vector_load_idx %arg6[%sub3A_82] : memref<16384xi32, #tpu.memory_space<vmem>>[vector<16xi32>], vector<16xi32>,
        %le3A_84 = arith.cmpi sle, %gather3A_83, %add3A_68 : vector<16xi32>
        %select_n3A_85 = arith.select %le3A_84, %add3A_79, %select_n3A_76 : vector<16xi1>, vector<16xi32>
        %add3A_86 = arith.constant 2048 : i32
        %add3A_87 = vector.broadcast %add3A_86 : i32 to vector<16xi32>
        %add3A_88 = arith.addi %select_n3A_85, %add3A_87 : vector<16xi32>
        %sub3A_89 = arith.constant 1 : i32
        %sub3A_90 = vector.broadcast %sub3A_89 : i32 to vector<16xi32>
        %sub3A_91 = arith.subi %add3A_88, %sub3A_90 : vector<16xi32>
        %gather3A_92 = tpu.vector_load_idx %arg6[%sub3A_91] : memref<16384xi32, #tpu.memory_space<vmem>>[vector<16xi32>], vector<16xi32>,
        %le3A_93 = arith.cmpi sle, %gather3A_92, %add3A_68 : vector<16xi32>
        %select_n3A_94 = arith.select %le3A_93, %add3A_88, %select_n3A_85 : vector<16xi1>, vector<16xi32>
        %add3A_95 = arith.constant 1024 : i32
        %add3A_96 = vector.broadcast %add3A_95 : i32 to vector<16xi32>
        %add3A_97 = arith.addi %select_n3A_94, %add3A_96 : vector<16xi32>
        %sub3A_98 = arith.constant 1 : i32
        %sub3A_99 = vector.broadcast %sub3A_98 : i32 to vector<16xi32>
        %sub3A_100 = arith.subi %add3A_97, %sub3A_99 : vector<16xi32>
        %gather3A_101 = tpu.vector_load_idx %arg6[%sub3A_100] : memref<16384xi32, #tpu.memory_space<vmem>>[vector<16xi32>], vector<16xi32>,
        %le3A_102 = arith.cmpi sle, %gather3A_101, %add3A_68 : vector<16xi32>
        %select_n3A_103 = arith.select %le3A_102, %add3A_97, %select_n3A_94 : vector<16xi1>, vector<16xi32>
        %add3A_104 = arith.constant 512 : i32
        %add3A_105 = vector.broadcast %add3A_104 : i32 to vector<16xi32>
        %add3A_106 = arith.addi %select_n3A_103, %add3A_105 : vector<16xi32>
        %sub3A_107 = arith.constant 1 : i32
        %sub3A_108 = vector.broadcast %sub3A_107 : i32 to vector<16xi32>
        %sub3A_109 = arith.subi %add3A_106, %sub3A_108 : vector<16xi32>
        %gather3A_110 = tpu.vector_load_idx %arg6[%sub3A_109] : memref<16384xi32, #tpu.memory_space<vmem>>[vector<16xi32>], vector<16xi32>,
        %le3A_111 = arith.cmpi sle, %gather3A_110, %add3A_68 : vector<16xi32>
        %select_n3A_112 = arith.select %le3A_111, %add3A_106, %select_n3A_103 : vector<16xi1>, vector<16xi32>
        %add3A_113 = arith.constant 256 : i32
        %add3A_114 = vector.broadcast %add3A_113 : i32 to vector<16xi32>
        %add3A_115 = arith.addi %select_n3A_112, %add3A_114 : vector<16xi32>
        %sub3A_116 = arith.constant 1 : i32
        %sub3A_117 = vector.broadcast %sub3A_116 : i32 to vector<16xi32>
        %sub3A_118 = arith.subi %add3A_115, %sub3A_117 : vector<16xi32>
        %gather3A_119 = tpu.vector_load_idx %arg6[%sub3A_118] : memref<16384xi32, #tpu.memory_space<vmem>>[vector<16xi32>], vector<16xi32>,
        %le3A_120 = arith.cmpi sle, %gather3A_119, %add3A_68 : vector<16xi32>
        %select_n3A_121 = arith.select %le3A_120, %add3A_115, %select_n3A_112 : vector<16xi1>, vector<16xi32>
        %add3A_122 = arith.constant 128 : i32
        %add3A_123 = vector.broadcast %add3A_122 : i32 to vector<16xi32>
        %add3A_124 = arith.addi %select_n3A_121, %add3A_123 : vector<16xi32>
        %sub3A_125 = arith.constant 1 : i32
        %sub3A_126 = vector.broadcast %sub3A_125 : i32 to vector<16xi32>
        %sub3A_127 = arith.subi %add3A_124, %sub3A_126 : vector<16xi32>
        %gather3A_128 = tpu.vector_load_idx %arg6[%sub3A_127] : memref<16384xi32, #tpu.memory_space<vmem>>[vector<16xi32>], vector<16xi32>,
        %le3A_129 = arith.cmpi sle, %gather3A_128, %add3A_68 : vector<16xi32>
        %select_n3A_130 = arith.select %le3A_129, %add3A_124, %select_n3A_121 : vector<16xi1>, vector<16xi32>
        %add3A_131 = arith.constant 64 : i32
        %add3A_132 = vector.broadcast %add3A_131 : i32 to vector<16xi32>
        %add3A_133 = arith.addi %select_n3A_130, %add3A_132 : vector<16xi32>
        %sub3A_134 = arith.constant 1 : i32
        %sub3A_135 = vector.broadcast %sub3A_134 : i32 to vector<16xi32>
        %sub3A_136 = arith.subi %add3A_133, %sub3A_135 : vector<16xi32>
        %gather3A_137 = tpu.vector_load_idx %arg6[%sub3A_136] : memref<16384xi32, #tpu.memory_space<vmem>>[vector<16xi32>], vector<16xi32>,
        %le3A_138 = arith.cmpi sle, %gather3A_137, %add3A_68 : vector<16xi32>
        %select_n3A_139 = arith.select %le3A_138, %add3A_133, %select_n3A_130 : vector<16xi1>, vector<16xi32>
        %add3A_140 = arith.constant 32 : i32
        %add3A_141 = vector.broadcast %add3A_140 : i32 to vector<16xi32>
        %add3A_142 = arith.addi %select_n3A_139, %add3A_141 : vector<16xi32>
        %sub3A_143 = arith.constant 1 : i32
        %sub3A_144 = vector.broadcast %sub3A_143 : i32 to vector<16xi32>
        %sub3A_145 = arith.subi %add3A_142, %sub3A_144 : vector<16xi32>
        %gather3A_146 = tpu.vector_load_idx %arg6[%sub3A_145] : memref<16384xi32, #tpu.memory_space<vmem>>[vector<16xi32>], vector<16xi32>,
        %le3A_147 = arith.cmpi sle, %gather3A_146, %add3A_68 : vector<16xi32>
        %select_n3A_148 = arith.select %le3A_147, %add3A_142, %select_n3A_139 : vector<16xi1>, vector<16xi32>
        %add3A_149 = arith.constant 16 : i32
        %add3A_150 = vector.broadcast %add3A_149 : i32 to vector<16xi32>
        %add3A_151 = arith.addi %select_n3A_148, %add3A_150 : vector<16xi32>
        %sub3A_152 = arith.constant 1 : i32
        %sub3A_153 = vector.broadcast %sub3A_152 : i32 to vector<16xi32>
        %sub3A_154 = arith.subi %add3A_151, %sub3A_153 : vector<16xi32>
        %gather3A_155 = tpu.vector_load_idx %arg6[%sub3A_154] : memref<16384xi32, #tpu.memory_space<vmem>>[vector<16xi32>], vector<16xi32>,
        %le3A_156 = arith.cmpi sle, %gather3A_155, %add3A_68 : vector<16xi32>
        %select_n3A_157 = arith.select %le3A_156, %add3A_151, %select_n3A_148 : vector<16xi1>, vector<16xi32>
        %add3A_158 = arith.constant 8 : i32
        %add3A_159 = vector.broadcast %add3A_158 : i32 to vector<16xi32>
        %add3A_160 = arith.addi %select_n3A_157, %add3A_159 : vector<16xi32>
        %sub3A_161 = arith.constant 1 : i32
        %sub3A_162 = vector.broadcast %sub3A_161 : i32 to vector<16xi32>
        %sub3A_163 = arith.subi %add3A_160, %sub3A_162 : vector<16xi32>
        %gather3A_164 = tpu.vector_load_idx %arg6[%sub3A_163] : memref<16384xi32, #tpu.memory_space<vmem>>[vector<16xi32>], vector<16xi32>,
        %le3A_165 = arith.cmpi sle, %gather3A_164, %add3A_68 : vector<16xi32>
        %select_n3A_166 = arith.select %le3A_165, %add3A_160, %select_n3A_157 : vector<16xi1>, vector<16xi32>
        %add3A_167 = arith.constant 4 : i32
        %add3A_168 = vector.broadcast %add3A_167 : i32 to vector<16xi32>
        %add3A_169 = arith.addi %select_n3A_166, %add3A_168 : vector<16xi32>
        %sub3A_170 = arith.constant 1 : i32
        %sub3A_171 = vector.broadcast %sub3A_170 : i32 to vector<16xi32>
        %sub3A_172 = arith.subi %add3A_169, %sub3A_171 : vector<16xi32>
        %gather3A_173 = tpu.vector_load_idx %arg6[%sub3A_172] : memref<16384xi32, #tpu.memory_space<vmem>>[vector<16xi32>], vector<16xi32>,
        %le3A_174 = arith.cmpi sle, %gather3A_173, %add3A_68 : vector<16xi32>
        %select_n3A_175 = arith.select %le3A_174, %add3A_169, %select_n3A_166 : vector<16xi1>, vector<16xi32>
        %add3A_176 = arith.constant 2 : i32
        %add3A_177 = vector.broadcast %add3A_176 : i32 to vector<16xi32>
        %add3A_178 = arith.addi %select_n3A_175, %add3A_177 : vector<16xi32>
        %sub3A_179 = arith.constant 1 : i32
        %sub3A_180 = vector.broadcast %sub3A_179 : i32 to vector<16xi32>
        %sub3A_181 = arith.subi %add3A_178, %sub3A_180 : vector<16xi32>
        %gather3A_182 = tpu.vector_load_idx %arg6[%sub3A_181] : memref<16384xi32, #tpu.memory_space<vmem>>[vector<16xi32>], vector<16xi32>,
        %le3A_183 = arith.cmpi sle, %gather3A_182, %add3A_68 : vector<16xi32>
        %select_n3A_184 = arith.select %le3A_183, %add3A_178, %select_n3A_175 : vector<16xi1>, vector<16xi32>
        %add3A_185 = arith.constant 1 : i32
        %add3A_186 = vector.broadcast %add3A_185 : i32 to vector<16xi32>
        %add3A_187 = arith.addi %select_n3A_184, %add3A_186 : vector<16xi32>
        %sub3A_188 = arith.constant 1 : i32
        %sub3A_189 = vector.broadcast %sub3A_188 : i32 to vector<16xi32>
        %sub3A_190 = arith.subi %add3A_187, %sub3A_189 : vector<16xi32>
        %gather3A_191 = tpu.vector_load_idx %arg6[%sub3A_190] : memref<16384xi32, #tpu.memory_space<vmem>>[vector<16xi32>], vector<16xi32>,
        %le3A_192 = arith.cmpi sle, %gather3A_191, %add3A_68 : vector<16xi32>
        %select_n3A_193 = arith.select %le3A_192, %add3A_187, %select_n3A_184 : vector<16xi1>, vector<16xi32>
        %sub3A_194 = arith.constant 1 : i32
        %sub3A_195 = vector.broadcast %sub3A_194 : i32 to vector<16xi32>
        %sub3A_196 = arith.subi %select_n3A_193, %sub3A_195 : vector<16xi32>
        %ge3A = arith.constant 0 : i32
        %ge3A_197 = vector.broadcast %ge3A : i32 to vector<16xi32>
        %ge3A_198 = arith.cmpi sge, %sub3A_196, %ge3A_197 : vector<16xi32>
        %lt3A_199 = arith.constant 10000 : i32
        %lt3A_200 = vector.broadcast %lt3A_199 : i32 to vector<16xi32>
        %lt3A_201 = arith.cmpi slt, %sub3A_196, %lt3A_200 : vector<16xi32>
        %and3A = arith.andi %ge3A_198, %lt3A_201 : vector<16xi1>
        %jit3A_202 = arith.constant 10000 : i32
        %broadcast_in_dim3A_203 = vector.broadcast %jit3A_202 : i32 to vector<16xi32>
        %select_n3A_204 = arith.select %and3A, %sub3A_196, %broadcast_in_dim3A_203 : vector<16xi1>, vector<16xi32>
        %mul3A_205 = arith.constant 16 : i32
        %mul3A_206 = arith.muli %add3A_63, %mul3A_205 : i32
        %swap3A = arith.index_cast %mul3A_206 : i32 to index
        %swap3A_207 = tpu.vector_load %arg9[%swap3A] {strides = array<i32>} : memref<128xi32, #tpu.memory_space<vmem>>, vector<16xi32>,
        tpu.vector_store %arg9[%swap3A], %select_n3A_204 {strides = array<i32>} : memref<128xi32, #tpu.memory_space<vmem>>, vector<16xi32>,
      }
      %scan3A_58 = arith.constant 8 : i32
      "tpu.region"() ({
        %run_scoped3A = tpu.sem_alloc : memref<!tpu.dma_semaphore, #tpu.memory_space<semaphore_mem>>
        %dma_start3A = arith.constant 0 : i32
        %dma_start3A_59 = arith.constant 0 : i32
        %dma_start3A_60 = tpu.memref_slice %arg11[%dma_start3A, %dma_start3A_59] : memref<10240x128xf32, #tpu.memory_space<vmem_shared>> -> memref<10240x128xf32, #tpu.memory_space<vmem_shared>>
        tpu.enqueue_indirect_dma source(%arg8 : memref<128x128xf32, #tpu.memory_space<vmem>>) target(%dma_start3A_60 : memref<10240x128xf32, #tpu.memory_space<vmem_shared>>) offsets(%arg9 : memref<128xi32, #tpu.memory_space<vmem>>) semaphore(%run_scoped3A : memref<!tpu.dma_semaphore, #tpu.memory_space<semaphore_mem>>) {add = true}
        %dma_wait3A = arith.constant 0 : i32
        %dma_wait3A_61 = arith.constant 0 : i32
        %dma_wait3A_62 = tpu.memref_slice %arg11[%dma_wait3A, %dma_wait3A_61] : memref<10240x128xf32, #tpu.memory_space<vmem_shared>> -> memref<10240x128xf32, #tpu.memory_space<vmem_shared>>
        tpu.wait_indirect_dma semaphore(%run_scoped3A : memref<!tpu.dma_semaphore, #tpu.memory_space<semaphore_mem>>) src(%arg8 : memref<128x128xf32, #tpu.memory_space<vmem>>) dst(%dma_wait3A_62 : memref<10240x128xf32, #tpu.memory_space<vmem_shared>>)
        tpu.yield
      }) : () -> ()
    }
    %barrier3A_42 = arith.constant 0 : index
    tpu.barrier barrier_id(%barrier3A_42)
    "tpu.region"() ({
      %run_scoped3A = tpu.sem_alloc : memref<!tpu.dma_semaphore, #tpu.memory_space<semaphore_mem>>
      %dma_start3A = arith.constant 0 : i32
      %dma_start3A_43 = tpu.memref_slice %arg5[%arg0, %mul3A_4, %dma_start3A] : memref<2x10240x128xf32, #tpu.memory_space<hbm>> -> memref<1x640x128xf32, #tpu.memory_space<hbm>>
      %dma_start3A_44 = tpu.memref_squeeze %dma_start3A_43 : memref<1x640x128xf32, #tpu.memory_space<hbm>> -> memref<640x128xf32, #tpu.memory_space<hbm>>
      %dma_start3A_45 = arith.constant 0 : i32
      %dma_start3A_46 = tpu.memref_slice %arg11[%mul3A_4, %dma_start3A_45] : memref<10240x128xf32, #tpu.memory_space<vmem_shared>> -> memref<640x128xf32, #tpu.memory_space<vmem_shared>>
      tpu.enqueue_dma source(%dma_start3A_46 : memref<640x128xf32, #tpu.memory_space<vmem_shared>>) target(%dma_start3A_44 : memref<640x128xf32, #tpu.memory_space<hbm>>) target_semaphore(%run_scoped3A : memref<!tpu.dma_semaphore, #tpu.memory_space<semaphore_mem>>)
      %dma_wait3A = arith.constant 0 : i32
      %dma_wait3A_47 = tpu.memref_slice %arg5[%arg0, %mul3A_4, %dma_wait3A] : memref<2x10240x128xf32, #tpu.memory_space<hbm>> -> memref<1x640x128xf32, #tpu.memory_space<hbm>>
      %dma_wait3A_48 = tpu.memref_squeeze %dma_wait3A_47 : memref<1x640x128xf32, #tpu.memory_space<hbm>> -> memref<640x128xf32, #tpu.memory_space<hbm>>
      %dma_wait3A_49 = arith.constant 0 : i32
      %dma_wait3A_50 = tpu.memref_slice %arg11[%mul3A_4, %dma_wait3A_49] : memref<10240x128xf32, #tpu.memory_space<vmem_shared>> -> memref<640x128xf32, #tpu.memory_space<vmem_shared>>
      tpu.wait_dma2 semaphore(%run_scoped3A : memref<!tpu.dma_semaphore, #tpu.memory_space<semaphore_mem>>) src(%dma_wait3A_50 : memref<640x128xf32, #tpu.memory_space<vmem_shared>>) dst(%dma_wait3A_48 : memref<640x128xf32, #tpu.memory_space<hbm>>)
      tpu.yield
    }) : () -> ()
    return
  }
}

module attributes {stable_mosaic.version = 14 : i64} {
  func.func @_tc_finish_body(%arg0: i32, %arg1: memref<2000x128xf32, #tpu.memory_space<vmem>>, %arg2: memref<2000x128xf32, #tpu.memory_space<vmem>>, %arg3: memref<2000x128xf32, #tpu.memory_space<vmem>>, %arg4: memref<2000x1xi32, #tpu.memory_space<vmem>>, %arg5: memref<2000x1xi32, #tpu.memory_space<vmem>>, %arg6: memref<128x128xf32, #tpu.memory_space<vmem>>, %arg7: memref<128x128xf32, #tpu.memory_space<vmem>>, %arg8: memref<1x128xf32, #tpu.memory_space<vmem>>, %arg9: memref<2000x128xf32, #tpu.memory_space<vmem>>) attributes {dimension_semantics = [#tpu.dimension_semantics<arbitrary>], iteration_bounds = array<i64: 5>, scalar_prefetch = 0 : i64, scratch_operands = 0 : i64, tpu.core_type = #tpu.core_type<tc>, window_params = [{transform_indices = @transform_0, window_bounds = array<i64: 2000, 128>}, {transform_indices = @transform_1, window_bounds = array<i64: 2000, 128>}, {transform_indices = @transform_2, window_bounds = array<i64: 2000, 128>}, {transform_indices = @transform_3, window_bounds = array<i64: 2000, 1>}, {transform_indices = @transform_4, window_bounds = array<i64: 2000, 1>}, {pipeline_mode = #tpu.pipeline_mode<synchronous>, transform_indices = @transform_5, window_bounds = array<i64: 128, 128>}, {pipeline_mode = #tpu.pipeline_mode<synchronous>, transform_indices = @transform_6, window_bounds = array<i64: 128, 128>}, {pipeline_mode = #tpu.pipeline_mode<synchronous>, transform_indices = @transform_7, window_bounds = array<i64: 1, 128>}, {transform_indices = @transform_8, window_bounds = array<i64: 2000, 128>}]} {
    %get3A = arith.constant 0 : index
    %get3A_0 = arith.constant 0 : index
    %get3A_1 = vector.load %arg5[%get3A, %get3A_0] : memref<2000x1xi32, #tpu.memory_space<vmem>>, vector<2000x1xi32>
    %get3A_2 = arith.constant 0 : index
    %get3A_3 = arith.constant 0 : index
    %get3A_4 = vector.load %arg4[%get3A_2, %get3A_3] : memref<2000x1xi32, #tpu.memory_space<vmem>>, vector<2000x1xi32>
    %sub3A = arith.subi %get3A_1, %get3A_4 : vector<2000x1xi32>
    %convert_element_type3A = arith.sitofp %sub3A : vector<2000x1xi32> to vector<2000x1xf32>
    %max3A = arith.constant 1.000000e+00 : f32
    %max3A_5 = vector.broadcast %max3A : f32 to vector<2000x1xf32>
    %max3A_6 = arith.maximumf %convert_element_type3A, %max3A_5 : vector<2000x1xf32>
    %get3A_7 = arith.constant 0 : index
    %get3A_8 = arith.constant 0 : index
    %get3A_9 = vector.load %arg1[%get3A_7, %get3A_8] : memref<2000x128xf32, #tpu.memory_space<vmem>>, vector<2000x128xf32>
    %get3A_10 = arith.constant 0 : index
    %get3A_11 = arith.constant 0 : index
    %get3A_12 = vector.load %arg2[%get3A_10, %get3A_11] : memref<2000x128xf32, #tpu.memory_space<vmem>>, vector<2000x128xf32>
    %add3A = arith.addf %get3A_9, %get3A_12 : vector<2000x128xf32>
    %div3A = vector.broadcast %max3A_6 : vector<2000x1xf32> to vector<2000x128xf32>
    %div3A_13 = arith.divf %add3A, %div3A : vector<2000x128xf32>
    %get3A_14 = arith.constant 0 : index
    %get3A_15 = arith.constant 0 : index
    %get3A_16 = vector.load %arg6[%get3A_14, %get3A_15] : memref<128x128xf32, #tpu.memory_space<vmem>>, vector<128x128xf32>
    %dot_general3A = arith.constant dense<0.000000e+00> : vector<2000x128xf32>
    %dot_general3A_17 = tpu.matmul %div3A_13, %get3A_16, %dot_general3A {dimension_numbers = #tpu.dot_dimension_numbers<[1], [1], [0], [0], [0, 0, 1, 0], [], []>, transpose_lhs_hint = false} : vector<2000x128xf32>, vector<128x128xf32>, vector<2000x128xf32> -> vector<2000x128xf32>
    %get3A_18 = arith.constant 0 : index
    %get3A_19 = arith.constant 0 : index
    %get3A_20 = vector.load %arg3[%get3A_18, %get3A_19] : memref<2000x128xf32, #tpu.memory_space<vmem>>, vector<2000x128xf32>
    %get3A_21 = arith.constant 0 : index
    %get3A_22 = arith.constant 0 : index
    %get3A_23 = vector.load %arg7[%get3A_21, %get3A_22] : memref<128x128xf32, #tpu.memory_space<vmem>>, vector<128x128xf32>
    %dot_general3A_24 = arith.constant dense<0.000000e+00> : vector<2000x128xf32>
    %dot_general3A_25 = tpu.matmul %get3A_20, %get3A_23, %dot_general3A_24 {dimension_numbers = #tpu.dot_dimension_numbers<[1], [1], [0], [0], [0, 0, 1, 0], [], []>, transpose_lhs_hint = false} : vector<2000x128xf32>, vector<128x128xf32>, vector<2000x128xf32> -> vector<2000x128xf32>
    %add3A_26 = arith.addf %dot_general3A_17, %dot_general3A_25 : vector<2000x128xf32>
    %get3A_27 = arith.constant 0 : index
    %get3A_28 = arith.constant 0 : index
    %get3A_29 = vector.load %arg8[%get3A_27, %get3A_28] : memref<1x128xf32, #tpu.memory_space<vmem>>, vector<1x128xf32>
    %add3A_30 = vector.broadcast %get3A_29 : vector<1x128xf32> to vector<2000x128xf32>
    %add3A_31 = arith.addf %add3A_26, %add3A_30 : vector<2000x128xf32>
    %swap3A = arith.constant 0 : index
    %swap3A_32 = arith.constant 0 : index
    %swap3A_33 = vector.load %arg9[%swap3A, %swap3A_32] : memref<2000x128xf32, #tpu.memory_space<vmem>>, vector<2000x128xf32>
    tpu.vector_store %arg9[%swap3A, %swap3A_32], %add3A_31 {strides = array<i32>} : memref<2000x128xf32, #tpu.memory_space<vmem>>, vector<2000x128xf32>,
    return
  }
  func.func @transform_0(%arg0: i32) -> (i32, i32) {
    %c0_i32 = arith.constant 0 : i32
    %c0_i32_0 = arith.constant 0 : i32
    return %arg0, %c0_i32 : i32, i32
  }
  func.func @transform_1(%arg0: i32) -> (i32, i32) {
    %c0_i32 = arith.constant 0 : i32
    %c0_i32_0 = arith.constant 0 : i32
    return %arg0, %c0_i32 : i32, i32
  }
  func.func @transform_2(%arg0: i32) -> (i32, i32) {
    %c0_i32 = arith.constant 0 : i32
    %c0_i32_0 = arith.constant 0 : i32
    return %arg0, %c0_i32 : i32, i32
  }
  func.func @transform_3(%arg0: i32) -> (i32, i32) {
    %c0_i32 = arith.constant 0 : i32
    %c0_i32_0 = arith.constant 0 : i32
    return %arg0, %c0_i32 : i32, i32
  }
  func.func @transform_4(%arg0: i32) -> (i32, i32) {
    %c0_i32 = arith.constant 0 : i32
    %c0_i32_0 = arith.constant 0 : i32
    return %arg0, %c0_i32 : i32, i32
  }
  func.func @transform_5(%arg0: i32) -> (i32, i32) {
    %c0_i32 = arith.constant 0 : i32
    %c0_i32_0 = arith.constant 0 : i32
    %c0_i32_1 = arith.constant 0 : i32
    return %c0_i32, %c0_i32_0 : i32, i32
  }
  func.func @transform_6(%arg0: i32) -> (i32, i32) {
    %c0_i32 = arith.constant 0 : i32
    %c0_i32_0 = arith.constant 0 : i32
    %c0_i32_1 = arith.constant 0 : i32
    return %c0_i32, %c0_i32_0 : i32, i32
  }
  func.func @transform_7(%arg0: i32) -> (i32, i32) {
    %c0_i32 = arith.constant 0 : i32
    %c0_i32_0 = arith.constant 0 : i32
    %c0_i32_1 = arith.constant 0 : i32
    return %c0_i32, %c0_i32_0 : i32, i32
  }
  func.func @transform_8(%arg0: i32) -> (i32, i32) {
    %c0_i32 = arith.constant 0 : i32
    %c0_i32_0 = arith.constant 0 : i32
    return %arg0, %c0_i32 : i32, i32
  }
}

</mosaic_0001>

<sc_bundles>
// kernel: kernel.4.cloned.1.call-start
scs
__scs_entry_jumppad:
0x0: {  	(pc) =	sbr.rel $0x88, $3  }
0x1: {  	(tag) =	ssettag $0x0;
	lr =	simm.s32 $0x1  }
0x2: {  	[smem:$0x3F9A] =	sst lr;
	_ =	strace $0xD0000000  }
0x3: {  	_ = 	snop  }
0x4: {  	_ = 	snop  }
0x5: {  	_ = 	snop  }
0x6: {  	_ = 	snop  }
0x7: {  	_ = 	snop  }
__scs_overlays_trampoline_lowered:
0x8: {  	[smem:$0x3FA9] =	sst s0  }
0x9: {  	[smem:$0x3FAA] =	sst s1  }
0xa: {  	[smem:$0x3FAB] =	sst s2  }
0xb: {  	[smem:$0x3FAC] =	sst s3  }
0xc: {  	[smem:$0x3FAD] =	sst s4  }
0xd: {  	[smem:$0x3FAE] =	sst s5  }
0xe: {  	[smem:$0x3FAF] =	sst s6  }
0xf: {  	[smem:$0x3FB0] =	sst s7  }
0x10: {  	[smem:$0x3FB1] =	sst s8  }
0x11: {  	[smem:$0x3FB2] =	sst s9;
	s0 =	simm.s32 @!p0 $0x0  }
0x12: {  	s1 =	sld [smem:$0x3F98];
	s0 =	simm.s32 @p0 $0x1  }
0x13: {  	[smem:$0x3FB3] =	sst s0;
	s0 =	simm.s32 @!p1 $0x0  }
0x14: {  	s2 =	sld [smem:$0x3F97];
	s0 =	simm.s32 @p1 $0x1  }
0x15: {  	[smem:$0x3FB4] =	sst s0;
	s0 =	simm.s32 @!p2 $0x0  }
0x16: {  	s3 =	sld [smem:$0x3FDB];
	s0 =	simm.s32 @p2 $0x1  }
0x17: {  	s4 =	simm.s32 $0x1BF5;
	[smem:$0x3FB6] =	sst s0  }
0x18: {  	s0 =	sld [smem:$0x3F99];
	_ =	swait.ge [sflag:s4], $0x0  }
0x19: {  	s7 =	sld [smem:$0x3F9A]  }
0x1a: {  	s8 =	sadd.s32 $0xFFFFE003, lr  }
0x1b: {  	s9 =	sadd.s32 $0xFFFFFEF7, lr;
	s5 =	simm.s32 $0xFFFFFFFF;
	p2 =	slt.u32 s8, $0xFFFFF086  }
0x1c: {  	p1 =	slt.u32 s9, $0xF7A;
	s5 =	simm.s32 @!p2 $0x0  }
0x1d: {  	s5 =	simm.s32 @p1 $0x1;
	p0 =	seq.s32 s7, s2  }
0x1e: {  	s7 =	smul.u32 @!p0 $0xF7A, s2;
	p2 =	seq.s32 @!p0 s5, $0x0  }
0x1f: {  	s9 =	smul.u32 $0xF7A, s1;
	s8 =	simm.s32 @!p0 $0x1BF5;
	p2 =	por !p2, p0  }
0x20: {  	[sflag:s8] =	ssyncset.s32 @!p0 $0xFFFFF086;
	s6 =	sadd.s32 @!p0 s3, s7;
	s7 =	simm.s32 @!p0 $0x108  }
0x21: {  	s3 =	sadd.s32 s3, s9;
	s6 =	sadd.s32 @!p0 $0x88, s6;
	s7 =	simm.s32 @p2 $0x1082  }
0x22: {  	[simem:s7], [sflag:s8] =	dma.local @!p0 [hbm:s6], $0xF7A  }
0x23: {  	s9 =	sor.u32 $0xD0000000, s2;
	s6 =	simm.s32 $0x108;
	_ =	swait.ge @!p0 [sflag:s8], $0x0  }
0x24: {  	s3 =	sadd.s32 $0x88, s3;
	s6 =	simm.s32 @!p1 $0x1082;
	[sflag:s4] =	ssyncset.s32 $0xFFFFF086  }
0x25: {  	[simem:s6], [sflag:s4] =	dma.local [hbm:s3], $0xF7A  }
0x26: {  	[smem:$0x3F9A] =	sst s1;
	(tag) =	ssettag s2;
	_ =	strace s9  }
0x27: {  	s1 =	sld [smem:$0x3FAA]  }
0x28: {  	s2 =	sld [smem:$0x3FAB]  }
0x29: {  	s4 =	sld [smem:$0x3FAD]  }
0x2a: {  	p0 =	seq.s32 s5, $0x0;
	s5 =	sld [smem:$0x3FAE]  }
0x2b: {  	s6 =	sld [smem:$0x3FAF]  }
0x2c: {  	s7 =	sld [smem:$0x3FB0]  }
0x2d: {  	s3 =	simm.s32 $0x108;
	s8 =	sld [smem:$0x3FB1]  }
0x2e: {  	s3 =	simm.s32 @!p0 $0x1082;
	s9 =	sld [smem:$0x3FB2]  }
0x2f: {  	lr =	sadd.s32 s0, s3;
	s0 =	sld [smem:$0x3FA9]  }
0x30: {  	s3 =	sld [smem:$0x3FAC]  }
0x31: {  	[smem:$0x3FB5] =	sst s10  }
0x32: {  	s10 =	sld [smem:$0x3FB3];
	_ =	sdelay $0x3  }
0x33: {  	p0 =	seq.s32 s10, $0x1;
	s10 =	sld [smem:$0x3FB5];
	_ =	sdelay $0x3  }
0x34: {  	[smem:$0x3FB5] =	sst s10  }
0x35: {  	s10 =	sld [smem:$0x3FB4];
	_ =	sdelay $0x3  }
0x36: {  	p1 =	seq.s32 s10, $0x1;
	s10 =	sld [smem:$0x3FB5];
	_ =	sdelay $0x3  }
0x37: {  	[smem:$0x3FB5] =	sst s10  }
0x38: {  	s10 =	sld [smem:$0x3FB6]  }
0x39: {  	_ = 	snop;
	(pc) =	sbr.ind lr, $3  }
0x3a: {  	_ = 	snop  }
0x3b: {  	_ = 	snop  }
0x3c: {  	p2 =	seq.s32 s10, $0x1;
	s10 =	sld [smem:$0x3FB5]  }
0x3d: {  	_ =	shalt  }
0x3e: {  	_ =	shalt  }
0x3f: {  	_ =	shalt  }
0x40: {  	_ =	shalt  }
0x41: {  	_ =	shalt  }
0x42: {  	_ =	shalt  }
0x43: {  	_ =	shalt  }
0x44: {  	_ =	shalt  }
0x45: {  	_ =	shalt  }
0x46: {  	_ =	shalt  }
0x47: {  	_ =	shalt  }
0x48: {  	_ =	shalt  }
0x49: {  	_ =	shalt  }
0x4a: {  	_ =	shalt  }
0x4b: {  	_ =	shalt  }
0x4c: {  	_ =	shalt  }
0x4d: {  	_ =	shalt  }
0x4e: {  	_ =	shalt  }
0x4f: {  	_ =	shalt  }
0x50: {  	_ =	shalt  }
0x51: {  	_ =	shalt  }
0x52: {  	_ =	shalt  }
0x53: {  	_ =	shalt  }
0x54: {  	_ =	shalt  }
0x55: {  	_ =	shalt  }
0x56: {  	_ =	shalt  }
0x57: {  	_ =	shalt  }
0x58: {  	_ =	shalt  }
0x59: {  	_ =	shalt  }
0x5a: {  	_ =	shalt  }
0x5b: {  	_ =	shalt  }
0x5c: {  	_ =	shalt  }
0x5d: {  	_ =	shalt  }
0x5e: {  	_ =	shalt  }
0x5f: {  	_ =	shalt  }
0x60: {  	_ =	shalt  }
0x61: {  	_ =	shalt  }
0x62: {  	_ =	shalt  }
0x63: {  	_ =	shalt  }
0x64: {  	_ =	shalt  }
0x65: {  	_ =	shalt  }
0x66: {  	_ =	shalt  }
0x67: {  	_ =	shalt  }
0x68: {  	_ =	shalt  }
0x69: {  	_ =	shalt  }
0x6a: {  	_ =	shalt  }
0x6b: {  	_ =	shalt  }
0x6c: {  	_ =	shalt  }
0x6d: {  	_ =	shalt  }
0x6e: {  	_ =	shalt  }
0x6f: {  	_ =	shalt  }
0x70: {  	_ =	shalt  }
0x71: {  	_ =	shalt  }
0x72: {  	_ =	shalt  }
0x73: {  	_ =	shalt  }
0x74: {  	_ =	shalt  }
0x75: {  	_ =	shalt  }
0x76: {  	_ =	shalt  }
0x77: {  	_ =	shalt  }
0x78: {  	_ =	shalt  }
0x79: {  	_ =	shalt  }
0x7a: {  	_ =	shalt  }
0x7b: {  	_ =	shalt  }
0x7c: {  	_ =	shalt  }
0x7d: {  	_ =	shalt  }
0x7e: {  	_ =	shalt  }
0x7f: {  	_ =	shalt  }
0x80: {  	_ =	shalt  }
0x81: {  	_ =	shalt  }
0x82: {  	_ =	shalt  }
0x83: {  	_ =	shalt  }
0x84: {  	_ =	shalt  }
0x85: {  	_ =	shalt  }
0x86: {  	_ =	shalt  }
0x87: {  	_ =	shalt  }
.Lfunc_end0:
.L_simem_size_0:
called_computation_lowered:
.L_overlay_start_0:
0x88: {  	s2 =	sld [smem:$0x3FD9]  }
0x89: {  	s3 =	sld [smem:$0x3FFE];
	_ =	sdelay $0x1  }
0x8a: {  	s1 =	srdreg.scid  }
0x8b: {  	s0 =	sand.u32 $0x1, s1  }
0x8c: {  	s17 =	sshll.u32 s0, $0xA;
	s2 =	sadd.s32 s3, s2  }
0x8d: {  	s2 =	sadd.s32 s2, s17  }
0x8e: {  	[smem:$0x3FC1] =	sst s2  }
0x8f: {  	_ = 	snop  }
0x90: {  	s2 =	sld [smem:$0x3FC8]  }
0x91: {  	s18 =	sld [smem:$0x3FC6]  }
0x92: {  	s4 =	sld [smem:$0x3FD0];
	(tm) =	ssettm $0x1  }
0x93: {  	s5 =	sld [smem:$0x3FFB];
	_ =	sdelay $0x3  }
0x94: {  	_ =	strace s5  }
0x95: {  	s5 =	sld [smem:$0x3FFC];
	_ =	sdelay $0x3  }
0x96: {  	_ =	strace s5  }
0x97: {  	s5 =	sld [smem:$0x3FFD];
	_ =	sdelay $0x3  }
0x98: {  	_ =	strace s5  }
0x99: {  	_ =	strace $0x8FFFFFFF  }
0x9a: {  	s19 =	sld [smem:$0x3FDB];
	_ =	sdelay $0x1  }
0x9b: {  	s6 =	simm.s32 $_scs_section_size  }
0x9c: {  	s7 =	simm.s32 $_size__tile_overlayer_lowered;
	s8 =	simm.s32 $_tile_overlayer_lowered  }
0x9d: {  	s22 =	simm.s32 $0x1BFF;
	s21 =	sshll.u32 s8, $0x1;
	s5 =	sadd.s32 s6, s19  }
0x9e: {  	s9 =	simm.s32 $0x0;
	s20 =	sshll.u32 s7, $0x1;
	s7 =	sadd.s32 s21, s5  }
0x9f: {  	[timem:s9], [sflag:s22] =	dma.local [hbm:s7], s20  }
0xa0: {  	_ =	swait.ge [sflag:s22], s20  }
0xa1: {  	s6 =	ssub.s32 $0x0, s20;
	[sflag:s22] =	ssyncset.done $0x0  }
0xa2: {  	[sflag:s22] =	ssyncadd.s32 s6;
	_ =	sdelay $0x1  }
0xa3: {  	s23 =	simm.s32 $0x1B8B  }
0xa4: {  	_ =	swait.ge [sflag:s23], $0x1  }
0xa5: {  	[sflag:s23] =	ssyncset.done $0x0  }
0xa6: {  	s25 =	simm.s32 $0x1B8E;
	s24 =	sld [smem:$0x3FFE];
	[sflag:s23] =	ssyncadd.s32 $0xFFFFFFFF  }
0xa7: {  	s26 =	simm.s32 $execute0_lowered;
	[smem:$0x3FD2] =	sst s25  }
0xa8: {  	s7 =	sshll.u32 s26, $0x1;
	_ =	strace $0x80000046;
	[dreg:$0x1] =	wrdreg $0xFFFFFFFF  }
0xa9: {  	s28 =	simm.s32 $_size_execute0_lowered;
	s5 =	sadd.s32 s5, s7;
	[dreg:$0x0] =	wrdreg $0x0  }
0xaa: {  	s7 =	sshll.u32 s28, $0x1;
	[dreg:$0x2] =	wrdreg s5  }
0xab: {  	[dreg:$0x3] =	wrdreg s7  }
0xac: {  	[dreg:$0x4] =	wrdreg $0xC0  }
0xad: {  	_ =	task [dreg:s9], $0x5FFFF  }
0xae: {  	[dreg:$0x1] =	wrdreg $0xFFFFFFFF  }
0xaf: {  	[dreg:$0x0] =	wrdreg $0x60  }
0xb0: {  	[dreg:$0x2] =	wrdreg s2  }
0xb1: {  	[dreg:$0x3] =	wrdreg s18  }
0xb2: {  	[dreg:$0x4] =	wrdreg s4  }
0xb3: {  	[dreg:$0x5] =	wrdreg s24  }
0xb4: {  	[dreg:$0x6] =	wrdreg $0xA1000  }
0xb5: {  	[dreg:$0x7] =	wrdreg $0x9  }
0xb6: {  	_ =	task.clear_ibuf [dreg:s9], $0x8FFFF;
	_ =	strace $0x90000046  }
0xb7: {  	s29 =	simm.s32 $0x9;
	_ =	strace $0x80000048  }
0xb8: {  	_ =	swait.ge [sflag:s29], $0x1  }
0xb9: {  	[sflag:s29] =	ssyncadd.s32 $0xFFFFFFFF  }
0xba: {  	_ =	strace $0x90000048  }
0xbb: {  	_ =	sfence  }
0xbc: {  	s30 =	sld [smem:$0x0];
	_ =	sdelay $0x2  }
0xbd: {  	s31 =	sshll.u32 s1, $0xD;
	s1 =	sshrl.u32 s1, $0x2  }
0xbe: {  	s3 =	sand.u32 $0x4000, s31;
	s1 =	sadd.s32 s1, s30  }
0xbf: {  	s0 =	sor.u32 s3, s0;
	s1 =	sshll.u32 s1, $0x11  }
0xc0: {  	s0 =	sor.u32 s1, s0  }
0xc1: {  	s0 =	sadd.s32 $0x8F2B, s0  }
0xc2: {  	[sflag:s0] =	ssyncadd.remote.s32 $0x1  }
0xc3: {  	_ =	sfence.sel $0xFFFF  }
0xc4: {  	[dreg:$0x0] =	wrdreg $0xFFFFFFFF;
	(pc) =	sbr.abs _section_cstart, $3  }
0xc5: {  	[dreg:$0x1] =	wrdreg $0xFFFFFFFF  }
0xc6: {  	_ =	task.clear_ibuf [dreg:s9], $0x2FFFF;
	_ =	strace $0x9FFFFFFF  }
0xc7: {  	(tm) =	ssettm $0x7FFFFFFF  }
tec
execute0_lowered:
.L_overlay_start_1:
0x0: {  	(tag) =	ssettag $0x1  }
0x1: {  	s0 =	rddreg [dreg:$0x0]  }
0x2: {  	s1 =	rddreg [dreg:$0x1]  }
0x3: {  	s2 =	rddreg [dreg:$0x3];
	s3 =	srdreg.scid  }
0x4: {  	s5 =	rddreg [dreg:$0x4];
	s4 =	stileid.u32;
	s6 =	simm.s32 $0x0  }
0x5: {  	s16 =	simm.s32 $0x4F;
	s21 =	simm.s32 $0x1;
	s22 =	simm.s32 $0x8100  }
0x6: {  	s23 =	simm.s32 $0x4000;
	s24 =	simm.s32 $0x80;
	s25 =	simm.s32 $0x4080  }
0x7: {  	s26 =	simm.s32 $0x8080;
	s28 =	simm.s32 $0x0;
	s8 =	smul.u32 $0x14000, s4  }
0x8: {  	s29 =	simm.s32 $0x0;
	s3 =	sand.u32 $0x1, s3;
	s9 =	smul.u32 $0x50000, s4  }
0x9: {  	[smem:$0x7FF] =	sst s6;
	p0 =	slt.u32 s4, $0x2;
	s7 =	smul.u32 $0x140000, s3  }
0xa: {  	_ =	strace $0x80000047;
	s31 =	ssub.s32 $0x2, s3;
	s3 =	smul.u32 $0x4E2, s3  }
0xb: {  	s16 =	simm.s32 @!p0 $0x4E;
	s10 =	sshrl.u32 s31, $0x1;
	s7 =	sadd.s32 s8, s7  }
0xc: {  	s9 =	sshrl.u32 s9, $0x2;
	s18 =	ssub.s32 s31, s10;
	s7 =	sshrl.u32 s7, $0x3  }
0xd: {  	v2 =	vimm.s32 $0x1FFF;
	s3 =	sadd.s32 s4, s3;
	s2 =	sadd.s32 s7, s2;
	s7 =	sadd.s32 s9, s5  }
0xe: {  	s3 =	sshll.u32 s3, $0x7;
	s20 =	smax.u32 s18, $0x1;
	s8 =	sadd.s32 $0x2000, s7  }
0xf: {  	s9 =	sadd.s32 $0x4000, s7;
	s10 =	sadd.s32 $0x6000, s7;
	s11 =	sadd.s32 $0x8000, s7  }
0x10: {  	v0 =	vimm.f32 $0.0e+00;
	s12 =	sadd.s32 $0xA000, s7;
	s13 =	sadd.s32 $0xC000, s7;
	s14 =	sadd.s32 $0xE000, s7  }
0x11: {  	v1 =	vlaneseq.u32;
	v3 =	vimm.s32 $0x2000;
	v4 =	vimm.s32 $0x0;
	s15 =	sadd.s32 $0x10000, s7;
	s17 =	sadd.s32 $0x12000, s7;
	s19 =	sadd.s32 $0x1800, s2  }
.LBB2_1:
0x12: {  	s2 =	rddreg [dreg:$0x2]  }
0x13: {  	[tilespmem:s6], [sflag:$0x1] =	stream.linear.gather [hbm4b:s2+s6], $0x4000, $0x38;
	[tilespmem:$0x1E100] =	vst v63  }
0x14: {  	_ =	swait.ge [sflag:s21], $0x4000  }
0x15: {  	[sflag:s21] =	ssyncset.done $0x0  }
0x16: {  	s18 =	simm.s32 $0x200;
	s2 =	simm.s32 $0x0;
	[sflag:s21] =	ssyncadd.s32 $0xFFFFC000  }
.LBB2_2:
0x17: {  	p0 =	sne.s32 s18, $0x7E00;
	[tilespmem:s2+$0x8170] =	vst v0  }
0x18: {  	[tilespmem:s2+$0x8100] =	vst v0  }
0x19: {  	[tilespmem:s2+$0x8110] =	vst v0  }
.Ltmp0:
0x1a: {  	[tilespmem:s2+$0x8120] =	vst v0;
	(pc) =	sbr.rel @p0 .LBB2_2-.Ltmp0, $4  }
0x1b: {  	[tilespmem:s2+$0x8130] =	vst v0  }
0x1c: {  	[tilespmem:s2+$0x8140] =	vst v0  }
0x1d: {  	[tilespmem:s2+$0x8150] =	vst v0  }
0x1e: {  	[tilespmem:s2+$0x8160] =	vst v0;
	s2 =	sshra.s32 s18, $0x2;
	s18 =	sadd.s32 $0x200, s18  }
0x1f: {  	[tilespmem:s2+$0x8170] =	vst v0  }
0x20: {  	[tilespmem:s2+$0x8100] =	vst v0  }
0x21: {  	[tilespmem:s2+$0x8110] =	vst v0  }
0x22: {  	[tilespmem:s2+$0x8120] =	vst v0  }
0x23: {  	[tilespmem:s2+$0x8130] =	vst v0  }
0x24: {  	[tilespmem:s2+$0x8140] =	vst v0  }
0x25: {  	[tilespmem:s2+$0x8150] =	vst v0  }
0x26: {  	[tilespmem:s2+$0x8160] =	vst v0  }
0x27: {  	[spmem:s7] =	stream.linear.scatter [tilespmem:s22], [sflag:$0x1], $0x2000, $0x38;
	[tilespmem:$0x1E100] =	vst v63  }
0x28: {  	_ =	swait.ge [sflag:s21], $0x2000  }
0x29: {  	[sflag:s21] =	ssyncset.done $0x0  }
0x2a: {  	[sflag:s21] =	ssyncadd.s32 $0xFFFFE000  }
0x2b: {  	[spmem:s8] =	stream.linear.scatter [tilespmem:s22], [sflag:$0x1], $0x2000, $0x38;
	[tilespmem:$0x1E100] =	vst v63  }
0x2c: {  	_ =	swait.ge [sflag:s21], $0x2000  }
0x2d: {  	[sflag:s21] =	ssyncset.done $0x0  }
0x2e: {  	[sflag:s21] =	ssyncadd.s32 $0xFFFFE000  }
0x2f: {  	[spmem:s9] =	stream.linear.scatter [tilespmem:s22], [sflag:$0x1], $0x2000, $0x38;
	[tilespmem:$0x1E100] =	vst v63  }
0x30: {  	_ =	swait.ge [sflag:s21], $0x2000  }
0x31: {  	[sflag:s21] =	ssyncset.done $0x0  }
0x32: {  	[sflag:s21] =	ssyncadd.s32 $0xFFFFE000  }
0x33: {  	[spmem:s10] =	stream.linear.scatter [tilespmem:s22], [sflag:$0x1], $0x2000, $0x38;
	[tilespmem:$0x1E100] =	vst v63  }
0x34: {  	_ =	swait.ge [sflag:s21], $0x2000  }
0x35: {  	[sflag:s21] =	ssyncset.done $0x0  }
0x36: {  	[sflag:s21] =	ssyncadd.s32 $0xFFFFE000  }
0x37: {  	[spmem:s11] =	stream.linear.scatter [tilespmem:s22], [sflag:$0x1], $0x2000, $0x38;
	[tilespmem:$0x1E100] =	vst v63  }
0x38: {  	_ =	swait.ge [sflag:s21], $0x2000  }
0x39: {  	[sflag:s21] =	ssyncset.done $0x0  }
0x3a: {  	[sflag:s21] =	ssyncadd.s32 $0xFFFFE000  }
0x3b: {  	[spmem:s12] =	stream.linear.scatter [tilespmem:s22], [sflag:$0x1], $0x2000, $0x38;
	[tilespmem:$0x1E100] =	vst v63  }
0x3c: {  	_ =	swait.ge [sflag:s21], $0x2000  }
0x3d: {  	[sflag:s21] =	ssyncset.done $0x0  }
0x3e: {  	[sflag:s21] =	ssyncadd.s32 $0xFFFFE000  }
0x3f: {  	[spmem:s13] =	stream.linear.scatter [tilespmem:s22], [sflag:$0x1], $0x2000, $0x38;
	[tilespmem:$0x1E100] =	vst v63  }
0x40: {  	_ =	swait.ge [sflag:s21], $0x2000  }
0x41: {  	[sflag:s21] =	ssyncset.done $0x0  }
0x42: {  	[sflag:s21] =	ssyncadd.s32 $0xFFFFE000  }
0x43: {  	[spmem:s14] =	stream.linear.scatter [tilespmem:s22], [sflag:$0x1], $0x2000, $0x38;
	[tilespmem:$0x1E100] =	vst v63  }
0x44: {  	_ =	swait.ge [sflag:s21], $0x2000  }
0x45: {  	[sflag:s21] =	ssyncset.done $0x0  }
0x46: {  	[sflag:s21] =	ssyncadd.s32 $0xFFFFE000  }
0x47: {  	[spmem:s15] =	stream.linear.scatter [tilespmem:s22], [sflag:$0x1], $0x2000, $0x38;
	[tilespmem:$0x1E100] =	vst v63  }
0x48: {  	_ =	swait.ge [sflag:s21], $0x2000  }
0x49: {  	[sflag:s21] =	ssyncset.done $0x0  }
0x4a: {  	[sflag:s21] =	ssyncadd.s32 $0xFFFFE000  }
0x4b: {  	[spmem:s17] =	stream.linear.scatter [tilespmem:s22], [sflag:$0x1], $0x2000, $0x38;
	[tilespmem:$0x1E100] =	vst v63  }
0x4c: {  	_ =	swait.ge [sflag:s21], $0x2000  }
0x4d: {  	[sflag:s21] =	ssyncset.done $0x0  }
0x4e: {  	[sflag:s21] =	ssyncadd.s32 $0xFFFFE000  }
0x4f: {  	s18 =	smov.u32 s3;
	s31 =	simm.s32 $0x0;
	[bflag:$0x0] =	sbarrier.arrive $0xFFFF  }
.LBB2_4:
0x50: {  	s2 =	sshll.u32 s31, $0xB  }
0x51: {  	s2 =	sadd.s32 s3, s2  }
0x52: {  	s2 =	sshrl.u32 s2, $0x3  }
0x53: {  	s2 =	sadd.s32 s1, s2  }
0x54: {  	[tilespmem:s23], [sflag:$0x1] =	stream.linear.gather [hbm4b:s2+s29], $0x80, $0x38;
	[tilespmem:$0x1E100] =	vst v63  }
0x55: {  	_ =	swait.ge [sflag:s21], $0x80  }
0x56: {  	[sflag:s21] =	ssyncset.done $0x0  }
0x57: {  	[sflag:s21] =	ssyncadd.s32 $0xFFFFFF80  }
0x58: {  	[tilespmem:s25], [sflag:$0x1] =	stream.indirect.gather [hbm4b:s0+s24], $0x80, s23, s24, $0xb8;
	[tilespmem:$0x1E100] =	vst v63  }
0x59: {  	_ =	swait.ge [sflag:s21], $0x4000  }
0x5a: {  	[sflag:s21] =	ssyncset.done $0x0  }
0x5b: {  	s30 =	smov.u32 s18;
	s2 =	simm.s32 $0x0;
	[sflag:s21] =	ssyncadd.s32 $0xFFFFC000  }
.LBB2_5:
0x5c: {  	v5 =	vld.idx.msk [tilespmem:v2+s6+$0x0], $0xffff;
	_ =	sdelay $0x3  }
0x5d: {  	v6 =	vor.u32 s30, v1  }
0x5e: {  	vm0 =	vgt.s32 v5, v6  }
0x5f: {  	v5 =	vsel vm0, $0x0, v3  }
0x60: {  	v7 =	vor.u32 $0xFFF, v5;
	_ =	sdelay $0x4  }
0x61: {  	v7 =	vld.idx.msk [tilespmem:v7+s6+$0x0], $0xffff;
	_ =	sdelay $0x4  }
0x62: {  	v8 =	vor.u32 $0x1000, v5;
	vm15 =	vgt.s32 v7, v6  }
0x63: {  	v5 =	vsel vm15, v5, v8  }
0x64: {  	v7 =	vor.u32 $0x7FF, v5;
	_ =	sdelay $0x4  }
0x65: {  	v7 =	vld.idx.msk [tilespmem:v7+s6+$0x0], $0xffff;
	_ =	sdelay $0x4  }
0x66: {  	v8 =	vor.u32 $0x800, v5;
	vm4 =	vgt.s32 v7, v6  }
0x67: {  	v5 =	vsel vm4, v5, v8  }
0x68: {  	v7 =	vor.u32 $0x3FF, v5;
	_ =	sdelay $0x4  }
0x69: {  	v7 =	vld.idx.msk [tilespmem:v7+s6+$0x0], $0xffff;
	_ =	sdelay $0x4  }
0x6a: {  	v8 =	vor.u32 $0x400, v5;
	vm5 =	vgt.s32 v7, v6  }
0x6b: {  	v5 =	vsel vm5, v5, v8  }
0x6c: {  	v7 =	vadd.s32 $0x1FF, v5;
	_ =	sdelay $0x4  }
0x6d: {  	v7 =	vld.idx.msk [tilespmem:v7+s6+$0x0], $0xffff;
	_ =	sdelay $0x4  }
0x6e: {  	v8 =	vadd.s32 $0x200, v5;
	vm6 =	vgt.s32 v7, v6  }
0x6f: {  	v5 =	vsel vm6, v5, v8  }
0x70: {  	v7 =	vadd.s32 $0xFF, v5;
	_ =	sdelay $0x4  }
0x71: {  	v7 =	vld.idx.msk [tilespmem:v7+s6+$0x0], $0xffff;
	_ =	sdelay $0x4  }
0x72: {  	v8 =	vadd.s32 $0x100, v5;
	vm7 =	vgt.s32 v7, v6  }
0x73: {  	v5 =	vsel vm7, v5, v8  }
0x74: {  	v7 =	vadd.s32 $0x7F, v5;
	_ =	sdelay $0x4  }
0x75: {  	v7 =	vld.idx.msk [tilespmem:v7+s6+$0x0], $0xffff;
	_ =	sdelay $0x4  }
0x76: {  	v8 =	vadd.s32 $0x80, v5;
	vm8 =	vgt.s32 v7, v6  }
0x77: {  	v5 =	vsel vm8, v5, v8  }
0x78: {  	v7 =	vadd.s32 $0x3F, v5;
	_ =	sdelay $0x4  }
0x79: {  	v7 =	vld.idx.msk [tilespmem:v7+s6+$0x0], $0xffff;
	_ =	sdelay $0x4  }
0x7a: {  	v8 =	vadd.s32 $0x40, v5;
	vm9 =	vgt.s32 v7, v6  }
0x7b: {  	v5 =	vsel vm9, v5, v8  }
0x7c: {  	v7 =	vadd.s32 $0x1F, v5;
	_ =	sdelay $0x4  }
0x7d: {  	v7 =	vld.idx.msk [tilespmem:v7+s6+$0x0], $0xffff;
	_ =	sdelay $0x4  }
0x7e: {  	v8 =	vadd.s32 $0x20, v5;
	vm10 =	vgt.s32 v7, v6  }
0x7f: {  	v5 =	vsel vm10, v5, v8  }
0x80: {  	v7 =	vadd.s32 $0xF, v5;
	_ =	sdelay $0x4  }
0x81: {  	v7 =	vld.idx.msk [tilespmem:v7+s6+$0x0], $0xffff;
	_ =	sdelay $0x4  }
0x82: {  	v8 =	vadd.s32 $0x10, v5;
	vm11 =	vgt.s32 v7, v6  }
0x83: {  	v5 =	vsel vm11, v5, v8  }
0x84: {  	v7 =	vadd.s32 $0x7, v5;
	_ =	sdelay $0x4  }
0x85: {  	v7 =	vld.idx.msk [tilespmem:v7+s6+$0x0], $0xffff;
	_ =	sdelay $0x4  }
0x86: {  	v8 =	vadd.s32 $0x8, v5;
	vm12 =	vgt.s32 v7, v6  }
0x87: {  	v5 =	vsel vm12, v5, v8  }
0x88: {  	v7 =	vadd.s32 $0x3, v5;
	_ =	sdelay $0x4  }
0x89: {  	v7 =	vld.idx.msk [tilespmem:v7+s6+$0x0], $0xffff;
	_ =	sdelay $0x4  }
0x8a: {  	v8 =	vadd.s32 $0x4, v5;
	vm13 =	vgt.s32 v7, v6  }
0x8b: {  	v5 =	vsel vm13, v5, v8  }
0x8c: {  	v7 =	vadd.s32 $0x1, v5;
	_ =	sdelay $0x4  }
0x8d: {  	v7 =	vld.idx.msk [tilespmem:v7+s6+$0x0], $0xffff;
	_ =	sdelay $0x4  }
0x8e: {  	v8 =	vadd.s32 $0x2, v5;
	vm14 =	vgt.s32 v7, v6  }
0x8f: {  	v5 =	vsel vm14, v5, v8;
	_ =	sdelay $0x4  }
0x90: {  	v7 =	vld.idx.msk [tilespmem:v5+s6+$0x0], $0xffff;
	_ =	sdelay $0x3  }
0x91: {  	p0 =	sne.s32 s2, $0x1C0  }
.Ltmp1:
0x92: {  	vm15 =	vgt.s32 v7, v6;
	(pc) =	sbr.rel @p0 .LBB2_5-.Ltmp1, $4  }
0x93: {  	v6 =	vsel vm15, $0xFFFFFFFF, v4  }
0x94: {  	v5 =	vadd.s32 v6, v5  }
0x95: {  	s4 =	sshra.s32 s2, $0x2;
	v5 =	vmin.u32 v5, $0x2710  }
0x96: {  	s30 =	sadd.s32 $0x10, s30;
	s2 =	sadd.s32 $0x40, s2;
	[tilespmem:s4+$0x8080] =	vst v5  }
0x97: {  	s31 =	sadd.s32 $0x1, s31  }
0x98: {  	p0 =	sne.s32 s31, s16  }
.Ltmp2:
0x99: {  	_ = 	snop;
	(pc) =	sbr.rel @p0 .LBB2_4-.Ltmp2, $4  }
0x9a: {  	[spmem:s5] =	stream.indirect.scatter.add.f32 [tilespmem:s25], [sflag:$0x1], $0x80, s26, s24, $0xb8;
	[tilespmem:$0x1E100] =	vst v63  }
0x9b: {  	_ =	swait.ge [sflag:s21], $0x4000  }
0x9c: {  	[sflag:s21] =	ssyncset.done $0x0  }
0x9d: {  	s18 =	sadd.s32 $0x800, s18;
	[sflag:s21] =	ssyncadd.s32 $0xFFFFC000  }
0x9e: {  	s2 =	stileid.u32;
	s28 =	sadd.s32 $0x1, s28  }
0x9f: {  	[bflag:$0x0] =	sbarrier.arrive $0xFFFF;
	s2 =	sshll.u32 s2, $0x6;
	p0 =	sne.s32 s28, s20  }
.Ltmp3:
0xa0: {  	s4 =	sshrl.u32 s7, $0x3;
	s2 =	sor.u32 $0x1C01, s2;
	(pc) =	sbr.rel @p0 .LBB2_1-.Ltmp3, $4  }
0xa1: {  	[hbm:s19], [sflag:s2] =	dma.local [spmem:s4], $0x2800  }
0xa2: {  	_ =	swait.ge [sflag:s21], $0x2800  }
0xa3: {  	[sflag:s21] =	ssyncset.done $0x0  }
0xa4: {  	[sflag:s21] =	ssyncadd.s32 $0xFFFFD800  }
0xa5: {  	_ =	sfence.sel $0x180000  }
0xa6: {  	[bflag:$0x0] =	sbarrier.arrive $0xFFFF  }
0xa7: {  	_ =	strace $0x90000047  }
0xa8: {  	s0 =	stileid.u32;
	[bflag:$0x2] =	sbarrier.arrive $0xFFFF  }
0xa9: {  	p0 =	sne.s32 s0, $0x0;
	s0 =	rddreg [dreg:$0x5]  }
0xaa: {  	s0 =	sadd.s32 @!p0 $0x100000, s0  }
0xab: {  	[sflag:s0] =	ssyncadd.tile.s32 @!p0 $0x1;
	_ =	shalt  }
.Lfunc_end2:
_tile_overlayer_lowered:
.L_overlay_start_2:
0xac: {  	(tag) =	ssettag $0x2  }
0xad: {  	s0 =	rddreg [dreg:$0x0];
	s2 =	stileid.u32  }
0xae: {  	s1 =	rddreg [dreg:$0x1];
	p0 =	sne.s32 s2, $0x0  }
0xaf: {  	s3 =	rddreg [dreg:$0x2];
	[bflag:$0x3] =	sbarrier.arrive $0xFFFF;
	s2 =	simm.s32 @!p0 $0x1C01  }
0xb0: {  	[timem:s3], [sflag:s2] =	dma.local @!p0 [hbm:s0], s1  }
0xb1: {  	s0 =	simm.s32 @!p0 $0x1  }
0xb2: {  	_ =	swait.ge @!p0 [sflag:s0], s1  }
0xb3: {  	s1 =	ssub.s32 @!p0 $0x0, s1;
	[sflag:s0] =	ssyncset.done @!p0 $0x0  }
0xb4: {  	[sflag:s0] =	ssyncadd.s32 @!p0 s1  }
0xb5: {  	[bflag:$0x3] =	sbarrier.arrive $0xFFFF  }
0xb6: {  	_ =	shalt  }

</sc_bundles>
